<compile_context>
chip_gen: v7x
topology: tpu7x:2x2x1
jax: 0.10.2.dev20260603
libtpu: 0.0.44.dev20260713+nightly
codegen_flags: <defaults>
</compile_context>

<pallas_src>
import functools
import math

import jax
import jax.numpy as jnp
from jax.experimental import pallas as pl
from jax.experimental.pallas import tpu as pltpu
from jax.experimental.pallas import tpu_sc as plsc

_D_MODEL = 768
_N_EXP = 64
_Z_COEF = 0.001
_AUX_COEF = 0.01
_CAP_FACTOR = 1.0
_MIN_CAP = 4

_TB = 4096
_LANES = 128
_SC_TILES = 16


def _router_body(x_ref, wt_ref, idx_ref, prob_ref, idx2_ref, stats_ref,
                 p_acc, z_acc, *, tokens_per_tile):
    i = pl.program_id(0)
    nb = pl.num_programs(0)
    tb = x_ref.shape[0]

    lg = jax.lax.dot_general(
        wt_ref[...], x_ref[...],
        dimension_numbers=(((0,), (1,)), ((), ())),
        preferred_element_type=jnp.float32)
    m = jnp.max(lg, axis=0, keepdims=True)
    e = jnp.exp(lg - m)
    s = jnp.sum(e, axis=0, keepdims=True)
    eid = jax.lax.broadcasted_iota(jnp.int32, lg.shape, 0)
    amax = jnp.min(jnp.where(lg >= m, eid, _N_EXP), axis=0)
    idx_ref[...] = amax
    prob_ref[...] = 1.0 / s[0]
    lse = m[0] + jnp.log(s[0])

    gidx = i * tb + jax.lax.broadcasted_iota(jnp.int32, (tb,), 0)
    idx2_ref[...] = amax + (gidx // tokens_per_tile) * _N_EXP

    p_blk = jnp.sum((e * (1.0 / s)).reshape(_N_EXP, tb // _LANES, _LANES),
                    axis=1)
    z_blk = jnp.sum((lse * lse).reshape(tb // _LANES, _LANES),
                    axis=0, keepdims=True)

    @pl.when(i == 0)
    def _init():
        p_acc[...] = jnp.zeros_like(p_acc)
        z_acc[...] = jnp.zeros_like(z_acc)

    p_acc[...] += p_blk
    z_acc[...] += z_blk

    @pl.when(i == nb - 1)
    def _finish():
        p_vec = jnp.sum(p_acc[...], axis=1)
        z_sum = jnp.sum(z_acc[...])
        stats_ref[...] = jnp.concatenate(
            [p_vec, jnp.full((_N_EXP,), z_sum, jnp.float32)])


def _sc_body(idx_hbm, stats_hbm, cnt_hbm, aux_hbm,
             idx_v, ones_v, stats_v, cfin, hall_v, auxst, shared, sem,
             *, rows_per_tile, n_tokens):
    cid = jax.lax.axis_index("c")
    sid = jax.lax.axis_index("s")

    @pl.when(cid == 0)
    def _load():
        pltpu.sync_copy(idx_hbm.at[pl.ds(sid * rows_per_tile, rows_per_tile)],
                        idx_v)
        for t in range(_LANES // 16):
            ones_v[pl.ds(t * 16, 16)] = jnp.ones((16,), jnp.int32)
        for k in range(_N_EXP // 16):
            cfin[pl.ds(k * 16, 16)] = jnp.zeros((16,), jnp.int32)
        pltpu.sync_copy(cfin, shared.at[pl.ds(sid * _N_EXP, _N_EXP)])

    @pl.when((cid == 0) & (sid == 0))
    def _pref():
        pltpu.sync_copy(stats_hbm, stats_v)

    plsc.subcore_barrier()

    @pl.when(cid == 0)
    def _scatter():
        copies = [
            pltpu.make_async_copy(ones_v, shared.at[idx_v.at[j]], sem)
            for j in range(rows_per_tile)
        ]
        for c in copies:
            c.start(add=True)
        for c in copies:
            c.wait()

    plsc.subcore_barrier()

    @pl.when((cid == 0) & (sid == 0))
    def _final():
        pltpu.sync_copy(shared, hall_v)
        tot = []
        for k in range(_N_EXP // 16):
            acc_k = jnp.zeros((16,), jnp.int32)
            for r in range(_SC_TILES):
                acc_k = acc_k + hall_v[pl.ds(r * _N_EXP + k * 16, 16)]
            tot.append(acc_k)
        acc = jnp.zeros((16,), jnp.float32)
        for k in range(_N_EXP // 16):
            cfin[pl.ds(k * 16, 16)] = tot[k]
            acc = acc + (tot[k].astype(jnp.float32)
                         * stats_v[pl.ds(k * 16, 16)])
        fp_dot = jnp.sum(acc)
        zv = stats_v[pl.ds(_N_EXP, 16)]
        inv_n = 1.0 / n_tokens
        auxst[...] = (jnp.full((16,), _AUX_COEF * _N_EXP * inv_n * inv_n
                               * fp_dot, jnp.float32)
                      + zv * (_Z_COEF * inv_n))
        pltpu.sync_copy(cfin, cnt_hbm)
        pltpu.sync_copy(auxst, aux_hbm)


def kernel(x, W):
    B, T, D = x.shape
    n = B * T
    x_flat = x.reshape(n, D)
    wt = W.T
    nb = n // _TB

    idx, prob, idx2, stats = pl.pallas_call(
        functools.partial(_router_body, tokens_per_tile=n // _SC_TILES),
        grid=(nb,),
        in_specs=[
            pl.BlockSpec((_TB, D), lambda i: (i, 0)),
            pl.BlockSpec((D, _N_EXP), lambda i: (0, 0)),
        ],
        out_specs=[
            pl.BlockSpec((_TB,), lambda i: (i,)),
            pl.BlockSpec((_TB,), lambda i: (i,)),
            pl.BlockSpec((_TB,), lambda i: (i,)),
            pl.BlockSpec((2 * _N_EXP,), lambda i: (0,)),
        ],
        out_shape=[
            jax.ShapeDtypeStruct((n,), jnp.int32),
            jax.ShapeDtypeStruct((n,), jnp.float32),
            jax.ShapeDtypeStruct((n,), jnp.int32),
            jax.ShapeDtypeStruct((2 * _N_EXP,), jnp.float32),
        ],
        scratch_shapes=[
            pltpu.VMEM((_N_EXP, _LANES), jnp.float32),
            pltpu.VMEM((1, _LANES), jnp.float32),
        ],
    )(x_flat, wt)

    rows_per_tile = n // (_LANES * _SC_TILES)
    sc_call = pl.kernel(
        functools.partial(_sc_body, rows_per_tile=rows_per_tile,
                          n_tokens=float(n)),
        out_type=[
            jax.ShapeDtypeStruct((_N_EXP,), jnp.int32),
            jax.ShapeDtypeStruct((16,), jnp.float32),
        ],
        mesh=plsc.VectorSubcoreMesh(core_axis_name="c", subcore_axis_name="s",
                                    num_cores=1),
        compiler_params=pltpu.CompilerParams(needs_layout_passes=False),
        scratch_types=[
            pltpu.VMEM((rows_per_tile, _LANES), jnp.int32),
            pltpu.VMEM((_LANES,), jnp.int32),
            pltpu.VMEM((2 * _N_EXP,), jnp.float32),
            pltpu.VMEM((_N_EXP,), jnp.int32),
            pltpu.VMEM((_SC_TILES * _N_EXP,), jnp.int32),
            pltpu.VMEM((16,), jnp.float32),
            pltpu.VMEM_SHARED((_SC_TILES * _N_EXP,), jnp.int32),
            pltpu.SemaphoreType.DMA,
        ],
    )
    counts, auxv = sc_call(idx2.reshape(n // _LANES, _LANES), stats)

    capacity = max(_MIN_CAP, math.ceil(_CAP_FACTOR * n / _N_EXP))
    return (idx, prob, counts, jnp.array(capacity, dtype=jnp.int32),
            auxv[0])

# --- scband reference (transcript-rebuilt; emitter-appended) ---
"""Pipeline reference for scband-router-498216206778 (READ-ONLY COPY).

The authoritative reference and input builder live on the scoring server;
editing this copy changes nothing except your own understanding.
"""

import math
import jax, jax.numpy as jnp
import numpy as np

D_MODEL = 768
NUM_EXPERTS = 64
Z_LOSS_COEF = 0.001
AUX_LOSS_COEF = 0.01
CAPACITY_FACTOR = 1.0
MIN_CAPACITY = 4


def setup_inputs(seed: int = 0) -> dict:
    key = jax.random.key(seed)
    k1, k2 = jax.random.split(key)
    x = jax.random.normal(k1, (4, 8192, D_MODEL), dtype=jnp.float32)
    # gate weight (nn.Linear(d_model, num_experts, bias=False) -> weight [E, D])
    W = jax.random.normal(k2, (NUM_EXPERTS, D_MODEL), dtype=jnp.float32) * 0.02
    return {"x": x, "W": W}


def reference(x, W):
    B, T, D = x.shape
    num_tokens = B * T
    E = W.shape[0]
    x_flat = x.reshape(num_tokens, D)
    logits = x_flat @ W.T  # [num_tokens, E]
    probs = jax.nn.softmax(logits, axis=-1)
    capacity = max(MIN_CAPACITY, math.ceil(CAPACITY_FACTOR * num_tokens / E))
    z_loss = jnp.mean(jnp.square(jax.nn.logsumexp(logits, axis=-1)))
    expert_index = jnp.argmax(logits, axis=-1)  # [num_tokens]
    expert_prob = jnp.take_along_axis(probs, expert_index[:, None], axis=1)[:, 0]
    counts = jnp.bincount(expert_index, length=E)
    f_i = counts.astype(jnp.float32) / num_tokens
    p_i = probs.mean(axis=0)
    aux_loss = AUX_LOSS_COEF * E * jnp.sum(f_i * p_i) + z_loss * Z_LOSS_COEF
    return (expert_index, expert_prob, counts, jnp.array(capacity, dtype=jnp.int32), aux_loss)

if __name__ == "__main__":
    import jax
    _d = setup_inputs()
    print(jax.jit(kernel)(*tuple(_d.values())))

</pallas_src>

<mosaic_0001>
#map = affine_map<(d0, d1) -> (0, 0)>
#map1 = affine_map<(d0, d1) -> (0)>
module attributes {stable_mosaic.version = 14 : i64} {
  func.func @_sc_body(%arg0: i32, %arg1: i32, %arg2: memref<256x128xi32, #tpu.memory_space<hbm>>, %arg3: memref<128xf32, #tpu.memory_space<hbm>>, %arg4: memref<64xi32, #tpu.memory_space<hbm>>, %arg5: memref<16xf32, #tpu.memory_space<hbm>>, %arg6: memref<16x128xi32, #tpu.memory_space<vmem>>, %arg7: memref<128xi32, #tpu.memory_space<vmem>>, %arg8: memref<128xf32, #tpu.memory_space<vmem>>, %arg9: memref<64xi32, #tpu.memory_space<vmem>>, %arg10: memref<1024xi32, #tpu.memory_space<vmem>>, %arg11: memref<16xf32, #tpu.memory_space<vmem>>, %arg12: memref<1024xi32, #tpu.memory_space<vmem_shared>>, %arg13: memref<!tpu.dma_semaphore, #tpu.memory_space<semaphore_mem>>) attributes {dimension_semantics = [#tpu.dimension_semantics<core_parallel>, #tpu.dimension_semantics<subcore_parallel>], iteration_bounds = array<i64: 1, 16>, scalar_prefetch = 0 : i64, scratch_operands = 8 : i64, tpu.core_type = #tpu.core_type<sc_vector_subcore>, window_params = [{transform_indices = #map}, {transform_indices = #map1}, {transform_indices = #map1}, {transform_indices = #map1}]} {
    %eq3A = arith.constant 0 : i32
    %eq3A_0 = arith.cmpi eq, %arg0, %eq3A : i32
    %convert_element_type3A = arith.extui %eq3A_0 : i1 to i32
    %cond3A = arith.constant 0 : i32
    %cond3A_1 = arith.cmpi ne, %convert_element_type3A, %cond3A : i32
    scf.if %cond3A_1 {
      %mul3A = arith.constant 16 : i32
      %mul3A_23 = arith.muli %arg1, %mul3A : i32
      "tpu.region"() ({
        %run_scoped3A = tpu.sem_alloc : memref<!tpu.dma_semaphore, #tpu.memory_space<semaphore_mem>>
        %dma_start3A = arith.constant 0 : i32
        %dma_start3A_72 = tpu.memref_slice %arg2[%mul3A_23, %dma_start3A] : memref<256x128xi32, #tpu.memory_space<hbm>> -> memref<16x128xi32, #tpu.memory_space<hbm>>
        %dma_start3A_73 = arith.constant 0 : i32
        %dma_start3A_74 = tpu.memref_slice %arg2[%mul3A_23, %dma_start3A_73] : memref<256x128xi32, #tpu.memory_space<hbm>> -> memref<16x128xi32, #tpu.memory_space<hbm>>
        tpu.enqueue_dma source(%dma_start3A_74 : memref<16x128xi32, #tpu.memory_space<hbm>>) target(%arg6 : memref<16x128xi32, #tpu.memory_space<vmem>>) target_semaphore(%run_scoped3A : memref<!tpu.dma_semaphore, #tpu.memory_space<semaphore_mem>>)
        %dma_wait3A = arith.constant 0 : i32
        %dma_wait3A_75 = tpu.memref_slice %arg2[%mul3A_23, %dma_wait3A] : memref<256x128xi32, #tpu.memory_space<hbm>> -> memref<16x128xi32, #tpu.memory_space<hbm>>
        %dma_wait3A_76 = arith.constant 0 : i32
        %dma_wait3A_77 = tpu.memref_slice %arg2[%mul3A_23, %dma_wait3A_76] : memref<256x128xi32, #tpu.memory_space<hbm>> -> memref<16x128xi32, #tpu.memory_space<hbm>>
        tpu.wait_dma2 semaphore(%run_scoped3A : memref<!tpu.dma_semaphore, #tpu.memory_space<semaphore_mem>>) src(%dma_wait3A_77 : memref<16x128xi32, #tpu.memory_space<hbm>>) dst(%arg6 : memref<16x128xi32, #tpu.memory_space<vmem>>)
        tpu.yield
      }) : () -> ()
      %broadcast_in_dim3A = arith.constant 1 : i32
      %broadcast_in_dim3A_24 = vector.broadcast %broadcast_in_dim3A : i32 to vector<16xi32>
      %swap3A = arith.constant 0 : index
      %swap3A_25 = tpu.vector_load %arg7[%swap3A] {strides = array<i32>} : memref<128xi32, #tpu.memory_space<vmem>>, vector<16xi32>,
      tpu.vector_store %arg7[%swap3A], %broadcast_in_dim3A_24 {strides = array<i32>} : memref<128xi32, #tpu.memory_space<vmem>>, vector<16xi32>,
      %broadcast_in_dim3A_26 = arith.constant 1 : i32
      %broadcast_in_dim3A_27 = vector.broadcast %broadcast_in_dim3A_26 : i32 to vector<16xi32>
      %swap3A_28 = arith.constant 16 : index
      %swap3A_29 = tpu.vector_load %arg7[%swap3A_28] {strides = array<i32>} : memref<128xi32, #tpu.memory_space<vmem>>, vector<16xi32>,
      tpu.vector_store %arg7[%swap3A_28], %broadcast_in_dim3A_27 {strides = array<i32>} : memref<128xi32, #tpu.memory_space<vmem>>, vector<16xi32>,
      %broadcast_in_dim3A_30 = arith.constant 1 : i32
      %broadcast_in_dim3A_31 = vector.broadcast %broadcast_in_dim3A_30 : i32 to vector<16xi32>
      %swap3A_32 = arith.constant 32 : index
      %swap3A_33 = tpu.vector_load %arg7[%swap3A_32] {strides = array<i32>} : memref<128xi32, #tpu.memory_space<vmem>>, vector<16xi32>,
      tpu.vector_store %arg7[%swap3A_32], %broadcast_in_dim3A_31 {strides = array<i32>} : memref<128xi32, #tpu.memory_space<vmem>>, vector<16xi32>,
      %broadcast_in_dim3A_34 = arith.constant 1 : i32
      %broadcast_in_dim3A_35 = vector.broadcast %broadcast_in_dim3A_34 : i32 to vector<16xi32>
      %swap3A_36 = arith.constant 48 : index
      %swap3A_37 = tpu.vector_load %arg7[%swap3A_36] {strides = array<i32>} : memref<128xi32, #tpu.memory_space<vmem>>, vector<16xi32>,
      tpu.vector_store %arg7[%swap3A_36], %broadcast_in_dim3A_35 {strides = array<i32>} : memref<128xi32, #tpu.memory_space<vmem>>, vector<16xi32>,
      %broadcast_in_dim3A_38 = arith.constant 1 : i32
      %broadcast_in_dim3A_39 = vector.broadcast %broadcast_in_dim3A_38 : i32 to vector<16xi32>
      %swap3A_40 = arith.constant 64 : index
      %swap3A_41 = tpu.vector_load %arg7[%swap3A_40] {strides = array<i32>} : memref<128xi32, #tpu.memory_space<vmem>>, vector<16xi32>,
      tpu.vector_store %arg7[%swap3A_40], %broadcast_in_dim3A_39 {strides = array<i32>} : memref<128xi32, #tpu.memory_space<vmem>>, vector<16xi32>,
      %broadcast_in_dim3A_42 = arith.constant 1 : i32
      %broadcast_in_dim3A_43 = vector.broadcast %broadcast_in_dim3A_42 : i32 to vector<16xi32>
      %swap3A_44 = arith.constant 80 : index
      %swap3A_45 = tpu.vector_load %arg7[%swap3A_44] {strides = array<i32>} : memref<128xi32, #tpu.memory_space<vmem>>, vector<16xi32>,
      tpu.vector_store %arg7[%swap3A_44], %broadcast_in_dim3A_43 {strides = array<i32>} : memref<128xi32, #tpu.memory_space<vmem>>, vector<16xi32>,
      %broadcast_in_dim3A_46 = arith.constant 1 : i32
      %broadcast_in_dim3A_47 = vector.broadcast %broadcast_in_dim3A_46 : i32 to vector<16xi32>
      %swap3A_48 = arith.constant 96 : index
      %swap3A_49 = tpu.vector_load %arg7[%swap3A_48] {strides = array<i32>} : memref<128xi32, #tpu.memory_space<vmem>>, vector<16xi32>,
      tpu.vector_store %arg7[%swap3A_48], %broadcast_in_dim3A_47 {strides = array<i32>} : memref<128xi32, #tpu.memory_space<vmem>>, vector<16xi32>,
      %broadcast_in_dim3A_50 = arith.constant 1 : i32
      %broadcast_in_dim3A_51 = vector.broadcast %broadcast_in_dim3A_50 : i32 to vector<16xi32>
      %swap3A_52 = arith.constant 112 : index
      %swap3A_53 = tpu.vector_load %arg7[%swap3A_52] {strides = array<i32>} : memref<128xi32, #tpu.memory_space<vmem>>, vector<16xi32>,
      tpu.vector_store %arg7[%swap3A_52], %broadcast_in_dim3A_51 {strides = array<i32>} : memref<128xi32, #tpu.memory_space<vmem>>, vector<16xi32>,
      %broadcast_in_dim3A_54 = arith.constant 0 : i32
      %broadcast_in_dim3A_55 = vector.broadcast %broadcast_in_dim3A_54 : i32 to vector<16xi32>
      %swap3A_56 = arith.constant 0 : index
      %swap3A_57 = tpu.vector_load %arg9[%swap3A_56] {strides = array<i32>} : memref<64xi32, #tpu.memory_space<vmem>>, vector<16xi32>,
      tpu.vector_store %arg9[%swap3A_56], %broadcast_in_dim3A_55 {strides = array<i32>} : memref<64xi32, #tpu.memory_space<vmem>>, vector<16xi32>,
      %broadcast_in_dim3A_58 = arith.constant 0 : i32
      %broadcast_in_dim3A_59 = vector.broadcast %broadcast_in_dim3A_58 : i32 to vector<16xi32>
      %swap3A_60 = arith.constant 16 : index
      %swap3A_61 = tpu.vector_load %arg9[%swap3A_60] {strides = array<i32>} : memref<64xi32, #tpu.memory_space<vmem>>, vector<16xi32>,
      tpu.vector_store %arg9[%swap3A_60], %broadcast_in_dim3A_59 {strides = array<i32>} : memref<64xi32, #tpu.memory_space<vmem>>, vector<16xi32>,
      %broadcast_in_dim3A_62 = arith.constant 0 : i32
      %broadcast_in_dim3A_63 = vector.broadcast %broadcast_in_dim3A_62 : i32 to vector<16xi32>
      %swap3A_64 = arith.constant 32 : index
      %swap3A_65 = tpu.vector_load %arg9[%swap3A_64] {strides = array<i32>} : memref<64xi32, #tpu.memory_space<vmem>>, vector<16xi32>,
      tpu.vector_store %arg9[%swap3A_64], %broadcast_in_dim3A_63 {strides = array<i32>} : memref<64xi32, #tpu.memory_space<vmem>>, vector<16xi32>,
      %broadcast_in_dim3A_66 = arith.constant 0 : i32
      %broadcast_in_dim3A_67 = vector.broadcast %broadcast_in_dim3A_66 : i32 to vector<16xi32>
      %swap3A_68 = arith.constant 48 : index
      %swap3A_69 = tpu.vector_load %arg9[%swap3A_68] {strides = array<i32>} : memref<64xi32, #tpu.memory_space<vmem>>, vector<16xi32>,
      tpu.vector_store %arg9[%swap3A_68], %broadcast_in_dim3A_67 {strides = array<i32>} : memref<64xi32, #tpu.memory_space<vmem>>, vector<16xi32>,
      %mul3A_70 = arith.constant 64 : i32
      %mul3A_71 = arith.muli %arg1, %mul3A_70 : i32
      "tpu.region"() ({
        %run_scoped3A = tpu.sem_alloc : memref<!tpu.dma_semaphore, #tpu.memory_space<semaphore_mem>>
        %dma_start3A = tpu.memref_slice %arg12[%mul3A_71] : memref<1024xi32, #tpu.memory_space<vmem_shared>> -> memref<64xi32, #tpu.memory_space<vmem_shared>>
        %dma_start3A_72 = tpu.memref_slice %arg12[%mul3A_71] : memref<1024xi32, #tpu.memory_space<vmem_shared>> -> memref<64xi32, #tpu.memory_space<vmem_shared>>
        tpu.enqueue_dma source(%arg9 : memref<64xi32, #tpu.memory_space<vmem>>) target(%dma_start3A_72 : memref<64xi32, #tpu.memory_space<vmem_shared>>) target_semaphore(%run_scoped3A : memref<!tpu.dma_semaphore, #tpu.memory_space<semaphore_mem>>)
        %dma_wait3A = tpu.memref_slice %arg12[%mul3A_71] : memref<1024xi32, #tpu.memory_space<vmem_shared>> -> memref<64xi32, #tpu.memory_space<vmem_shared>>
        %dma_wait3A_73 = tpu.memref_slice %arg12[%mul3A_71] : memref<1024xi32, #tpu.memory_space<vmem_shared>> -> memref<64xi32, #tpu.memory_space<vmem_shared>>
        tpu.wait_dma2 semaphore(%run_scoped3A : memref<!tpu.dma_semaphore, #tpu.memory_space<semaphore_mem>>) src(%arg9 : memref<64xi32, #tpu.memory_space<vmem>>) dst(%dma_wait3A_73 : memref<64xi32, #tpu.memory_space<vmem_shared>>)
        tpu.yield
      }) : () -> ()
    } else {
    }
    %eq3A_2 = arith.constant 0 : i32
    %eq3A_3 = arith.cmpi eq, %arg0, %eq3A_2 : i32
    %eq3A_4 = arith.constant 0 : i32
    %eq3A_5 = arith.cmpi eq, %arg1, %eq3A_4 : i32
    %and3A = arith.andi %eq3A_3, %eq3A_5 : i1
    %convert_element_type3A_6 = arith.extui %and3A : i1 to i32
    %cond3A_7 = arith.constant 0 : i32
    %cond3A_8 = arith.cmpi ne, %convert_element_type3A_6, %cond3A_7 : i32
    scf.if %cond3A_8 {
      "tpu.region"() ({
        %run_scoped3A = tpu.sem_alloc : memref<!tpu.dma_semaphore, #tpu.memory_space<semaphore_mem>>
        tpu.enqueue_dma source(%arg3 : memref<128xf32, #tpu.memory_space<hbm>>) target(%arg8 : memref<128xf32, #tpu.memory_space<vmem>>) target_semaphore(%run_scoped3A : memref<!tpu.dma_semaphore, #tpu.memory_space<semaphore_mem>>)
        tpu.wait_dma2 semaphore(%run_scoped3A : memref<!tpu.dma_semaphore, #tpu.memory_space<semaphore_mem>>) src(%arg3 : memref<128xf32, #tpu.memory_space<hbm>>) dst(%arg8 : memref<128xf32, #tpu.memory_space<vmem>>)
        tpu.yield
      }) : () -> ()
    } else {
    }
    %barrier3A = arith.constant 0 : index
    tpu.barrier barrier_id(%barrier3A)
    %eq3A_9 = arith.constant 0 : i32
    %eq3A_10 = arith.cmpi eq, %arg0, %eq3A_9 : i32
    %convert_element_type3A_11 = arith.extui %eq3A_10 : i1 to i32
    %cond3A_12 = arith.constant 0 : i32
    %cond3A_13 = arith.cmpi ne, %convert_element_type3A_11, %cond3A_12 : i32
    scf.if %cond3A_13 {
      %dma_start3A = arith.constant 0 : i32
      %dma_start3A_23 = arith.constant 0 : i32
      %dma_start3A_24 = tpu.memref_slice %arg6[%dma_start3A, %dma_start3A_23] : memref<16x128xi32, #tpu.memory_space<vmem>> -> memref<1x128xi32, #tpu.memory_space<vmem>>
      %dma_start3A_25 = tpu.memref_squeeze %dma_start3A_24 : memref<1x128xi32, #tpu.memory_space<vmem>> -> memref<128xi32, #tpu.memory_space<vmem>>
      %dma_start3A_26 = arith.constant 0 : i32
      %dma_start3A_27 = tpu.memref_slice %arg12[%dma_start3A_26] : memref<1024xi32, #tpu.memory_space<vmem_shared>> -> memref<1024xi32, #tpu.memory_space<vmem_shared>>
      tpu.enqueue_indirect_dma source(%arg7 : memref<128xi32, #tpu.memory_space<vmem>>) target(%dma_start3A_27 : memref<1024xi32, #tpu.memory_space<vmem_shared>>) offsets(%dma_start3A_25 : memref<128xi32, #tpu.memory_space<vmem>>) semaphore(%arg13 : memref<!tpu.dma_semaphore, #tpu.memory_space<semaphore_mem>>) {add = true}
      %dma_start3A_28 = arith.constant 1 : i32
      %dma_start3A_29 = arith.constant 0 : i32
      %dma_start3A_30 = tpu.memref_slice %arg6[%dma_start3A_28, %dma_start3A_29] : memref<16x128xi32, #tpu.memory_space<vmem>> -> memref<1x128xi32, #tpu.memory_space<vmem>>
      %dma_start3A_31 = tpu.memref_squeeze %dma_start3A_30 : memref<1x128xi32, #tpu.memory_space<vmem>> -> memref<128xi32, #tpu.memory_space<vmem>>
      %dma_start3A_32 = arith.constant 0 : i32
      %dma_start3A_33 = tpu.memref_slice %arg12[%dma_start3A_32] : memref<1024xi32, #tpu.memory_space<vmem_shared>> -> memref<1024xi32, #tpu.memory_space<vmem_shared>>
      tpu.enqueue_indirect_dma source(%arg7 : memref<128xi32, #tpu.memory_space<vmem>>) target(%dma_start3A_33 : memref<1024xi32, #tpu.memory_space<vmem_shared>>) offsets(%dma_start3A_31 : memref<128xi32, #tpu.memory_space<vmem>>) semaphore(%arg13 : memref<!tpu.dma_semaphore, #tpu.memory_space<semaphore_mem>>) {add = true}
      %dma_start3A_34 = arith.constant 2 : i32
      %dma_start3A_35 = arith.constant 0 : i32
      %dma_start3A_36 = tpu.memref_slice %arg6[%dma_start3A_34, %dma_start3A_35] : memref<16x128xi32, #tpu.memory_space<vmem>> -> memref<1x128xi32, #tpu.memory_space<vmem>>
      %dma_start3A_37 = tpu.memref_squeeze %dma_start3A_36 : memref<1x128xi32, #tpu.memory_space<vmem>> -> memref<128xi32, #tpu.memory_space<vmem>>
      %dma_start3A_38 = arith.constant 0 : i32
      %dma_start3A_39 = tpu.memref_slice %arg12[%dma_start3A_38] : memref<1024xi32, #tpu.memory_space<vmem_shared>> -> memref<1024xi32, #tpu.memory_space<vmem_shared>>
      tpu.enqueue_indirect_dma source(%arg7 : memref<128xi32, #tpu.memory_space<vmem>>) target(%dma_start3A_39 : memref<1024xi32, #tpu.memory_space<vmem_shared>>) offsets(%dma_start3A_37 : memref<128xi32, #tpu.memory_space<vmem>>) semaphore(%arg13 : memref<!tpu.dma_semaphore, #tpu.memory_space<semaphore_mem>>) {add = true}
      %dma_start3A_40 = arith.constant 3 : i32
      %dma_start3A_41 = arith.constant 0 : i32
      %dma_start3A_42 = tpu.memref_slice %arg6[%dma_start3A_40, %dma_start3A_41] : memref<16x128xi32, #tpu.memory_space<vmem>> -> memref<1x128xi32, #tpu.memory_space<vmem>>
      %dma_start3A_43 = tpu.memref_squeeze %dma_start3A_42 : memref<1x128xi32, #tpu.memory_space<vmem>> -> memref<128xi32, #tpu.memory_space<vmem>>
      %dma_start3A_44 = arith.constant 0 : i32
      %dma_start3A_45 = tpu.memref_slice %arg12[%dma_start3A_44] : memref<1024xi32, #tpu.memory_space<vmem_shared>> -> memref<1024xi32, #tpu.memory_space<vmem_shared>>
      tpu.enqueue_indirect_dma source(%arg7 : memref<128xi32, #tpu.memory_space<vmem>>) target(%dma_start3A_45 : memref<1024xi32, #tpu.memory_space<vmem_shared>>) offsets(%dma_start3A_43 : memref<128xi32, #tpu.memory_space<vmem>>) semaphore(%arg13 : memref<!tpu.dma_semaphore, #tpu.memory_space<semaphore_mem>>) {add = true}
      %dma_start3A_46 = arith.constant 4 : i32
      %dma_start3A_47 = arith.constant 0 : i32
      %dma_start3A_48 = tpu.memref_slice %arg6[%dma_start3A_46, %dma_start3A_47] : memref<16x128xi32, #tpu.memory_space<vmem>> -> memref<1x128xi32, #tpu.memory_space<vmem>>
      %dma_start3A_49 = tpu.memref_squeeze %dma_start3A_48 : memref<1x128xi32, #tpu.memory_space<vmem>> -> memref<128xi32, #tpu.memory_space<vmem>>
      %dma_start3A_50 = arith.constant 0 : i32
      %dma_start3A_51 = tpu.memref_slice %arg12[%dma_start3A_50] : memref<1024xi32, #tpu.memory_space<vmem_shared>> -> memref<1024xi32, #tpu.memory_space<vmem_shared>>
      tpu.enqueue_indirect_dma source(%arg7 : memref<128xi32, #tpu.memory_space<vmem>>) target(%dma_start3A_51 : memref<1024xi32, #tpu.memory_space<vmem_shared>>) offsets(%dma_start3A_49 : memref<128xi32, #tpu.memory_space<vmem>>) semaphore(%arg13 : memref<!tpu.dma_semaphore, #tpu.memory_space<semaphore_mem>>) {add = true}
      %dma_start3A_52 = arith.constant 5 : i32
      %dma_start3A_53 = arith.constant 0 : i32
      %dma_start3A_54 = tpu.memref_slice %arg6[%dma_start3A_52, %dma_start3A_53] : memref<16x128xi32, #tpu.memory_space<vmem>> -> memref<1x128xi32, #tpu.memory_space<vmem>>
      %dma_start3A_55 = tpu.memref_squeeze %dma_start3A_54 : memref<1x128xi32, #tpu.memory_space<vmem>> -> memref<128xi32, #tpu.memory_space<vmem>>
      %dma_start3A_56 = arith.constant 0 : i32
      %dma_start3A_57 = tpu.memref_slice %arg12[%dma_start3A_56] : memref<1024xi32, #tpu.memory_space<vmem_shared>> -> memref<1024xi32, #tpu.memory_space<vmem_shared>>
      tpu.enqueue_indirect_dma source(%arg7 : memref<128xi32, #tpu.memory_space<vmem>>) target(%dma_start3A_57 : memref<1024xi32, #tpu.memory_space<vmem_shared>>) offsets(%dma_start3A_55 : memref<128xi32, #tpu.memory_space<vmem>>) semaphore(%arg13 : memref<!tpu.dma_semaphore, #tpu.memory_space<semaphore_mem>>) {add = true}
      %dma_start3A_58 = arith.constant 6 : i32
      %dma_start3A_59 = arith.constant 0 : i32
      %dma_start3A_60 = tpu.memref_slice %arg6[%dma_start3A_58, %dma_start3A_59] : memref<16x128xi32, #tpu.memory_space<vmem>> -> memref<1x128xi32, #tpu.memory_space<vmem>>
      %dma_start3A_61 = tpu.memref_squeeze %dma_start3A_60 : memref<1x128xi32, #tpu.memory_space<vmem>> -> memref<128xi32, #tpu.memory_space<vmem>>
      %dma_start3A_62 = arith.constant 0 : i32
      %dma_start3A_63 = tpu.memref_slice %arg12[%dma_start3A_62] : memref<1024xi32, #tpu.memory_space<vmem_shared>> -> memref<1024xi32, #tpu.memory_space<vmem_shared>>
      tpu.enqueue_indirect_dma source(%arg7 : memref<128xi32, #tpu.memory_space<vmem>>) target(%dma_start3A_63 : memref<1024xi32, #tpu.memory_space<vmem_shared>>) offsets(%dma_start3A_61 : memref<128xi32, #tpu.memory_space<vmem>>) semaphore(%arg13 : memref<!tpu.dma_semaphore, #tpu.memory_space<semaphore_mem>>) {add = true}
      %dma_start3A_64 = arith.constant 7 : i32
      %dma_start3A_65 = arith.constant 0 : i32
      %dma_start3A_66 = tpu.memref_slice %arg6[%dma_start3A_64, %dma_start3A_65] : memref<16x128xi32, #tpu.memory_space<vmem>> -> memref<1x128xi32, #tpu.memory_space<vmem>>
      %dma_start3A_67 = tpu.memref_squeeze %dma_start3A_66 : memref<1x128xi32, #tpu.memory_space<vmem>> -> memref<128xi32, #tpu.memory_space<vmem>>
      %dma_start3A_68 = arith.constant 0 : i32
      %dma_start3A_69 = tpu.memref_slice %arg12[%dma_start3A_68] : memref<1024xi32, #tpu.memory_space<vmem_shared>> -> memref<1024xi32, #tpu.memory_space<vmem_shared>>
      tpu.enqueue_indirect_dma source(%arg7 : memref<128xi32, #tpu.memory_space<vmem>>) target(%dma_start3A_69 : memref<1024xi32, #tpu.memory_space<vmem_shared>>) offsets(%dma_start3A_67 : memref<128xi32, #tpu.memory_space<vmem>>) semaphore(%arg13 : memref<!tpu.dma_semaphore, #tpu.memory_space<semaphore_mem>>) {add = true}
      %dma_start3A_70 = arith.constant 8 : i32
      %dma_start3A_71 = arith.constant 0 : i32
      %dma_start3A_72 = tpu.memref_slice %arg6[%dma_start3A_70, %dma_start3A_71] : memref<16x128xi32, #tpu.memory_space<vmem>> -> memref<1x128xi32, #tpu.memory_space<vmem>>
      %dma_start3A_73 = tpu.memref_squeeze %dma_start3A_72 : memref<1x128xi32, #tpu.memory_space<vmem>> -> memref<128xi32, #tpu.memory_space<vmem>>
      %dma_start3A_74 = arith.constant 0 : i32
      %dma_start3A_75 = tpu.memref_slice %arg12[%dma_start3A_74] : memref<1024xi32, #tpu.memory_space<vmem_shared>> -> memref<1024xi32, #tpu.memory_space<vmem_shared>>
      tpu.enqueue_indirect_dma source(%arg7 : memref<128xi32, #tpu.memory_space<vmem>>) target(%dma_start3A_75 : memref<1024xi32, #tpu.memory_space<vmem_shared>>) offsets(%dma_start3A_73 : memref<128xi32, #tpu.memory_space<vmem>>) semaphore(%arg13 : memref<!tpu.dma_semaphore, #tpu.memory_space<semaphore_mem>>) {add = true}
      %dma_start3A_76 = arith.constant 9 : i32
      %dma_start3A_77 = arith.constant 0 : i32
      %dma_start3A_78 = tpu.memref_slice %arg6[%dma_start3A_76, %dma_start3A_77] : memref<16x128xi32, #tpu.memory_space<vmem>> -> memref<1x128xi32, #tpu.memory_space<vmem>>
      %dma_start3A_79 = tpu.memref_squeeze %dma_start3A_78 : memref<1x128xi32, #tpu.memory_space<vmem>> -> memref<128xi32, #tpu.memory_space<vmem>>
      %dma_start3A_80 = arith.constant 0 : i32
      %dma_start3A_81 = tpu.memref_slice %arg12[%dma_start3A_80] : memref<1024xi32, #tpu.memory_space<vmem_shared>> -> memref<1024xi32, #tpu.memory_space<vmem_shared>>
      tpu.enqueue_indirect_dma source(%arg7 : memref<128xi32, #tpu.memory_space<vmem>>) target(%dma_start3A_81 : memref<1024xi32, #tpu.memory_space<vmem_shared>>) offsets(%dma_start3A_79 : memref<128xi32, #tpu.memory_space<vmem>>) semaphore(%arg13 : memref<!tpu.dma_semaphore, #tpu.memory_space<semaphore_mem>>) {add = true}
      %dma_start3A_82 = arith.constant 10 : i32
      %dma_start3A_83 = arith.constant 0 : i32
      %dma_start3A_84 = tpu.memref_slice %arg6[%dma_start3A_82, %dma_start3A_83] : memref<16x128xi32, #tpu.memory_space<vmem>> -> memref<1x128xi32, #tpu.memory_space<vmem>>
      %dma_start3A_85 = tpu.memref_squeeze %dma_start3A_84 : memref<1x128xi32, #tpu.memory_space<vmem>> -> memref<128xi32, #tpu.memory_space<vmem>>
      %dma_start3A_86 = arith.constant 0 : i32
      %dma_start3A_87 = tpu.memref_slice %arg12[%dma_start3A_86] : memref<1024xi32, #tpu.memory_space<vmem_shared>> -> memref<1024xi32, #tpu.memory_space<vmem_shared>>
      tpu.enqueue_indirect_dma source(%arg7 : memref<128xi32, #tpu.memory_space<vmem>>) target(%dma_start3A_87 : memref<1024xi32, #tpu.memory_space<vmem_shared>>) offsets(%dma_start3A_85 : memref<128xi32, #tpu.memory_space<vmem>>) semaphore(%arg13 : memref<!tpu.dma_semaphore, #tpu.memory_space<semaphore_mem>>) {add = true}
      %dma_start3A_88 = arith.constant 11 : i32
      %dma_start3A_89 = arith.constant 0 : i32
      %dma_start3A_90 = tpu.memref_slice %arg6[%dma_start3A_88, %dma_start3A_89] : memref<16x128xi32, #tpu.memory_space<vmem>> -> memref<1x128xi32, #tpu.memory_space<vmem>>
      %dma_start3A_91 = tpu.memref_squeeze %dma_start3A_90 : memref<1x128xi32, #tpu.memory_space<vmem>> -> memref<128xi32, #tpu.memory_space<vmem>>
      %dma_start3A_92 = arith.constant 0 : i32
      %dma_start3A_93 = tpu.memref_slice %arg12[%dma_start3A_92] : memref<1024xi32, #tpu.memory_space<vmem_shared>> -> memref<1024xi32, #tpu.memory_space<vmem_shared>>
      tpu.enqueue_indirect_dma source(%arg7 : memref<128xi32, #tpu.memory_space<vmem>>) target(%dma_start3A_93 : memref<1024xi32, #tpu.memory_space<vmem_shared>>) offsets(%dma_start3A_91 : memref<128xi32, #tpu.memory_space<vmem>>) semaphore(%arg13 : memref<!tpu.dma_semaphore, #tpu.memory_space<semaphore_mem>>) {add = true}
      %dma_start3A_94 = arith.constant 12 : i32
      %dma_start3A_95 = arith.constant 0 : i32
      %dma_start3A_96 = tpu.memref_slice %arg6[%dma_start3A_94, %dma_start3A_95] : memref<16x128xi32, #tpu.memory_space<vmem>> -> memref<1x128xi32, #tpu.memory_space<vmem>>
      %dma_start3A_97 = tpu.memref_squeeze %dma_start3A_96 : memref<1x128xi32, #tpu.memory_space<vmem>> -> memref<128xi32, #tpu.memory_space<vmem>>
      %dma_start3A_98 = arith.constant 0 : i32
      %dma_start3A_99 = tpu.memref_slice %arg12[%dma_start3A_98] : memref<1024xi32, #tpu.memory_space<vmem_shared>> -> memref<1024xi32, #tpu.memory_space<vmem_shared>>
      tpu.enqueue_indirect_dma source(%arg7 : memref<128xi32, #tpu.memory_space<vmem>>) target(%dma_start3A_99 : memref<1024xi32, #tpu.memory_space<vmem_shared>>) offsets(%dma_start3A_97 : memref<128xi32, #tpu.memory_space<vmem>>) semaphore(%arg13 : memref<!tpu.dma_semaphore, #tpu.memory_space<semaphore_mem>>) {add = true}
      %dma_start3A_100 = arith.constant 13 : i32
      %dma_start3A_101 = arith.constant 0 : i32
      %dma_start3A_102 = tpu.memref_slice %arg6[%dma_start3A_100, %dma_start3A_101] : memref<16x128xi32, #tpu.memory_space<vmem>> -> memref<1x128xi32, #tpu.memory_space<vmem>>
      %dma_start3A_103 = tpu.memref_squeeze %dma_start3A_102 : memref<1x128xi32, #tpu.memory_space<vmem>> -> memref<128xi32, #tpu.memory_space<vmem>>
      %dma_start3A_104 = arith.constant 0 : i32
      %dma_start3A_105 = tpu.memref_slice %arg12[%dma_start3A_104] : memref<1024xi32, #tpu.memory_space<vmem_shared>> -> memref<1024xi32, #tpu.memory_space<vmem_shared>>
      tpu.enqueue_indirect_dma source(%arg7 : memref<128xi32, #tpu.memory_space<vmem>>) target(%dma_start3A_105 : memref<1024xi32, #tpu.memory_space<vmem_shared>>) offsets(%dma_start3A_103 : memref<128xi32, #tpu.memory_space<vmem>>) semaphore(%arg13 : memref<!tpu.dma_semaphore, #tpu.memory_space<semaphore_mem>>) {add = true}
      %dma_start3A_106 = arith.constant 14 : i32
      %dma_start3A_107 = arith.constant 0 : i32
      %dma_start3A_108 = tpu.memref_slice %arg6[%dma_start3A_106, %dma_start3A_107] : memref<16x128xi32, #tpu.memory_space<vmem>> -> memref<1x128xi32, #tpu.memory_space<vmem>>
      %dma_start3A_109 = tpu.memref_squeeze %dma_start3A_108 : memref<1x128xi32, #tpu.memory_space<vmem>> -> memref<128xi32, #tpu.memory_space<vmem>>
      %dma_start3A_110 = arith.constant 0 : i32
      %dma_start3A_111 = tpu.memref_slice %arg12[%dma_start3A_110] : memref<1024xi32, #tpu.memory_space<vmem_shared>> -> memref<1024xi32, #tpu.memory_space<vmem_shared>>
      tpu.enqueue_indirect_dma source(%arg7 : memref<128xi32, #tpu.memory_space<vmem>>) target(%dma_start3A_111 : memref<1024xi32, #tpu.memory_space<vmem_shared>>) offsets(%dma_start3A_109 : memref<128xi32, #tpu.memory_space<vmem>>) semaphore(%arg13 : memref<!tpu.dma_semaphore, #tpu.memory_space<semaphore_mem>>) {add = true}
      %dma_start3A_112 = arith.constant 15 : i32
      %dma_start3A_113 = arith.constant 0 : i32
      %dma_start3A_114 = tpu.memref_slice %arg6[%dma_start3A_112, %dma_start3A_113] : memref<16x128xi32, #tpu.memory_space<vmem>> -> memref<1x128xi32, #tpu.memory_space<vmem>>
      %dma_start3A_115 = tpu.memref_squeeze %dma_start3A_114 : memref<1x128xi32, #tpu.memory_space<vmem>> -> memref<128xi32, #tpu.memory_space<vmem>>
      %dma_start3A_116 = arith.constant 0 : i32
      %dma_start3A_117 = tpu.memref_slice %arg12[%dma_start3A_116] : memref<1024xi32, #tpu.memory_space<vmem_shared>> -> memref<1024xi32, #tpu.memory_space<vmem_shared>>
      tpu.enqueue_indirect_dma source(%arg7 : memref<128xi32, #tpu.memory_space<vmem>>) target(%dma_start3A_117 : memref<1024xi32, #tpu.memory_space<vmem_shared>>) offsets(%dma_start3A_115 : memref<128xi32, #tpu.memory_space<vmem>>) semaphore(%arg13 : memref<!tpu.dma_semaphore, #tpu.memory_space<semaphore_mem>>) {add = true}
      %dma_wait3A = arith.constant 0 : i32
      %dma_wait3A_118 = arith.constant 0 : i32
      %dma_wait3A_119 = tpu.memref_slice %arg6[%dma_wait3A, %dma_wait3A_118] : memref<16x128xi32, #tpu.memory_space<vmem>> -> memref<1x128xi32, #tpu.memory_space<vmem>>
      %dma_wait3A_120 = tpu.memref_squeeze %dma_wait3A_119 : memref<1x128xi32, #tpu.memory_space<vmem>> -> memref<128xi32, #tpu.memory_space<vmem>>
      %dma_wait3A_121 = arith.constant 0 : i32
      %dma_wait3A_122 = tpu.memref_slice %arg12[%dma_wait3A_121] : memref<1024xi32, #tpu.memory_space<vmem_shared>> -> memref<1024xi32, #tpu.memory_space<vmem_shared>>
      tpu.wait_indirect_dma semaphore(%arg13 : memref<!tpu.dma_semaphore, #tpu.memory_space<semaphore_mem>>) src(%arg7 : memref<128xi32, #tpu.memory_space<vmem>>) dst(%dma_wait3A_122 : memref<1024xi32, #tpu.memory_space<vmem_shared>>)
      %dma_wait3A_123 = arith.constant 1 : i32
      %dma_wait3A_124 = arith.constant 0 : i32
      %dma_wait3A_125 = tpu.memref_slice %arg6[%dma_wait3A_123, %dma_wait3A_124] : memref<16x128xi32, #tpu.memory_space<vmem>> -> memref<1x128xi32, #tpu.memory_space<vmem>>
      %dma_wait3A_126 = tpu.memref_squeeze %dma_wait3A_125 : memref<1x128xi32, #tpu.memory_space<vmem>> -> memref<128xi32, #tpu.memory_space<vmem>>
      %dma_wait3A_127 = arith.constant 0 : i32
      %dma_wait3A_128 = tpu.memref_slice %arg12[%dma_wait3A_127] : memref<1024xi32, #tpu.memory_space<vmem_shared>> -> memref<1024xi32, #tpu.memory_space<vmem_shared>>
      tpu.wait_indirect_dma semaphore(%arg13 : memref<!tpu.dma_semaphore, #tpu.memory_space<semaphore_mem>>) src(%arg7 : memref<128xi32, #tpu.memory_space<vmem>>) dst(%dma_wait3A_128 : memref<1024xi32, #tpu.memory_space<vmem_shared>>)
      %dma_wait3A_129 = arith.constant 2 : i32
      %dma_wait3A_130 = arith.constant 0 : i32
      %dma_wait3A_131 = tpu.memref_slice %arg6[%dma_wait3A_129, %dma_wait3A_130] : memref<16x128xi32, #tpu.memory_space<vmem>> -> memref<1x128xi32, #tpu.memory_space<vmem>>
      %dma_wait3A_132 = tpu.memref_squeeze %dma_wait3A_131 : memref<1x128xi32, #tpu.memory_space<vmem>> -> memref<128xi32, #tpu.memory_space<vmem>>
      %dma_wait3A_133 = arith.constant 0 : i32
      %dma_wait3A_134 = tpu.memref_slice %arg12[%dma_wait3A_133] : memref<1024xi32, #tpu.memory_space<vmem_shared>> -> memref<1024xi32, #tpu.memory_space<vmem_shared>>
      tpu.wait_indirect_dma semaphore(%arg13 : memref<!tpu.dma_semaphore, #tpu.memory_space<semaphore_mem>>) src(%arg7 : memref<128xi32, #tpu.memory_space<vmem>>) dst(%dma_wait3A_134 : memref<1024xi32, #tpu.memory_space<vmem_shared>>)
      %dma_wait3A_135 = arith.constant 3 : i32
      %dma_wait3A_136 = arith.constant 0 : i32
      %dma_wait3A_137 = tpu.memref_slice %arg6[%dma_wait3A_135, %dma_wait3A_136] : memref<16x128xi32, #tpu.memory_space<vmem>> -> memref<1x128xi32, #tpu.memory_space<vmem>>
      %dma_wait3A_138 = tpu.memref_squeeze %dma_wait3A_137 : memref<1x128xi32, #tpu.memory_space<vmem>> -> memref<128xi32, #tpu.memory_space<vmem>>
      %dma_wait3A_139 = arith.constant 0 : i32
      %dma_wait3A_140 = tpu.memref_slice %arg12[%dma_wait3A_139] : memref<1024xi32, #tpu.memory_space<vmem_shared>> -> memref<1024xi32, #tpu.memory_space<vmem_shared>>
      tpu.wait_indirect_dma semaphore(%arg13 : memref<!tpu.dma_semaphore, #tpu.memory_space<semaphore_mem>>) src(%arg7 : memref<128xi32, #tpu.memory_space<vmem>>) dst(%dma_wait3A_140 : memref<1024xi32, #tpu.memory_space<vmem_shared>>)
      %dma_wait3A_141 = arith.constant 4 : i32
      %dma_wait3A_142 = arith.constant 0 : i32
      %dma_wait3A_143 = tpu.memref_slice %arg6[%dma_wait3A_141, %dma_wait3A_142] : memref<16x128xi32, #tpu.memory_space<vmem>> -> memref<1x128xi32, #tpu.memory_space<vmem>>
      %dma_wait3A_144 = tpu.memref_squeeze %dma_wait3A_143 : memref<1x128xi32, #tpu.memory_space<vmem>> -> memref<128xi32, #tpu.memory_space<vmem>>
      %dma_wait3A_145 = arith.constant 0 : i32
      %dma_wait3A_146 = tpu.memref_slice %arg12[%dma_wait3A_145] : memref<1024xi32, #tpu.memory_space<vmem_shared>> -> memref<1024xi32, #tpu.memory_space<vmem_shared>>
      tpu.wait_indirect_dma semaphore(%arg13 : memref<!tpu.dma_semaphore, #tpu.memory_space<semaphore_mem>>) src(%arg7 : memref<128xi32, #tpu.memory_space<vmem>>) dst(%dma_wait3A_146 : memref<1024xi32, #tpu.memory_space<vmem_shared>>)
      %dma_wait3A_147 = arith.constant 5 : i32
      %dma_wait3A_148 = arith.constant 0 : i32
      %dma_wait3A_149 = tpu.memref_slice %arg6[%dma_wait3A_147, %dma_wait3A_148] : memref<16x128xi32, #tpu.memory_space<vmem>> -> memref<1x128xi32, #tpu.memory_space<vmem>>
      %dma_wait3A_150 = tpu.memref_squeeze %dma_wait3A_149 : memref<1x128xi32, #tpu.memory_space<vmem>> -> memref<128xi32, #tpu.memory_space<vmem>>
      %dma_wait3A_151 = arith.constant 0 : i32
      %dma_wait3A_152 = tpu.memref_slice %arg12[%dma_wait3A_151] : memref<1024xi32, #tpu.memory_space<vmem_shared>> -> memref<1024xi32, #tpu.memory_space<vmem_shared>>
      tpu.wait_indirect_dma semaphore(%arg13 : memref<!tpu.dma_semaphore, #tpu.memory_space<semaphore_mem>>) src(%arg7 : memref<128xi32, #tpu.memory_space<vmem>>) dst(%dma_wait3A_152 : memref<1024xi32, #tpu.memory_space<vmem_shared>>)
      %dma_wait3A_153 = arith.constant 6 : i32
      %dma_wait3A_154 = arith.constant 0 : i32
      %dma_wait3A_155 = tpu.memref_slice %arg6[%dma_wait3A_153, %dma_wait3A_154] : memref<16x128xi32, #tpu.memory_space<vmem>> -> memref<1x128xi32, #tpu.memory_space<vmem>>
      %dma_wait3A_156 = tpu.memref_squeeze %dma_wait3A_155 : memref<1x128xi32, #tpu.memory_space<vmem>> -> memref<128xi32, #tpu.memory_space<vmem>>
      %dma_wait3A_157 = arith.constant 0 : i32
      %dma_wait3A_158 = tpu.memref_slice %arg12[%dma_wait3A_157] : memref<1024xi32, #tpu.memory_space<vmem_shared>> -> memref<1024xi32, #tpu.memory_space<vmem_shared>>
      tpu.wait_indirect_dma semaphore(%arg13 : memref<!tpu.dma_semaphore, #tpu.memory_space<semaphore_mem>>) src(%arg7 : memref<128xi32, #tpu.memory_space<vmem>>) dst(%dma_wait3A_158 : memref<1024xi32, #tpu.memory_space<vmem_shared>>)
      %dma_wait3A_159 = arith.constant 7 : i32
      %dma_wait3A_160 = arith.constant 0 : i32
      %dma_wait3A_161 = tpu.memref_slice %arg6[%dma_wait3A_159, %dma_wait3A_160] : memref<16x128xi32, #tpu.memory_space<vmem>> -> memref<1x128xi32, #tpu.memory_space<vmem>>
      %dma_wait3A_162 = tpu.memref_squeeze %dma_wait3A_161 : memref<1x128xi32, #tpu.memory_space<vmem>> -> memref<128xi32, #tpu.memory_space<vmem>>
      %dma_wait3A_163 = arith.constant 0 : i32
      %dma_wait3A_164 = tpu.memref_slice %arg12[%dma_wait3A_163] : memref<1024xi32, #tpu.memory_space<vmem_shared>> -> memref<1024xi32, #tpu.memory_space<vmem_shared>>
      tpu.wait_indirect_dma semaphore(%arg13 : memref<!tpu.dma_semaphore, #tpu.memory_space<semaphore_mem>>) src(%arg7 : memref<128xi32, #tpu.memory_space<vmem>>) dst(%dma_wait3A_164 : memref<1024xi32, #tpu.memory_space<vmem_shared>>)
      %dma_wait3A_165 = arith.constant 8 : i32
      %dma_wait3A_166 = arith.constant 0 : i32
      %dma_wait3A_167 = tpu.memref_slice %arg6[%dma_wait3A_165, %dma_wait3A_166] : memref<16x128xi32, #tpu.memory_space<vmem>> -> memref<1x128xi32, #tpu.memory_space<vmem>>
      %dma_wait3A_168 = tpu.memref_squeeze %dma_wait3A_167 : memref<1x128xi32, #tpu.memory_space<vmem>> -> memref<128xi32, #tpu.memory_space<vmem>>
      %dma_wait3A_169 = arith.constant 0 : i32
      %dma_wait3A_170 = tpu.memref_slice %arg12[%dma_wait3A_169] : memref<1024xi32, #tpu.memory_space<vmem_shared>> -> memref<1024xi32, #tpu.memory_space<vmem_shared>>
      tpu.wait_indirect_dma semaphore(%arg13 : memref<!tpu.dma_semaphore, #tpu.memory_space<semaphore_mem>>) src(%arg7 : memref<128xi32, #tpu.memory_space<vmem>>) dst(%dma_wait3A_170 : memref<1024xi32, #tpu.memory_space<vmem_shared>>)
      %dma_wait3A_171 = arith.constant 9 : i32
      %dma_wait3A_172 = arith.constant 0 : i32
      %dma_wait3A_173 = tpu.memref_slice %arg6[%dma_wait3A_171, %dma_wait3A_172] : memref<16x128xi32, #tpu.memory_space<vmem>> -> memref<1x128xi32, #tpu.memory_space<vmem>>
      %dma_wait3A_174 = tpu.memref_squeeze %dma_wait3A_173 : memref<1x128xi32, #tpu.memory_space<vmem>> -> memref<128xi32, #tpu.memory_space<vmem>>
      %dma_wait3A_175 = arith.constant 0 : i32
      %dma_wait3A_176 = tpu.memref_slice %arg12[%dma_wait3A_175] : memref<1024xi32, #tpu.memory_space<vmem_shared>> -> memref<1024xi32, #tpu.memory_space<vmem_shared>>
      tpu.wait_indirect_dma semaphore(%arg13 : memref<!tpu.dma_semaphore, #tpu.memory_space<semaphore_mem>>) src(%arg7 : memref<128xi32, #tpu.memory_space<vmem>>) dst(%dma_wait3A_176 : memref<1024xi32, #tpu.memory_space<vmem_shared>>)
      %dma_wait3A_177 = arith.constant 10 : i32
      %dma_wait3A_178 = arith.constant 0 : i32
      %dma_wait3A_179 = tpu.memref_slice %arg6[%dma_wait3A_177, %dma_wait3A_178] : memref<16x128xi32, #tpu.memory_space<vmem>> -> memref<1x128xi32, #tpu.memory_space<vmem>>
      %dma_wait3A_180 = tpu.memref_squeeze %dma_wait3A_179 : memref<1x128xi32, #tpu.memory_space<vmem>> -> memref<128xi32, #tpu.memory_space<vmem>>
      %dma_wait3A_181 = arith.constant 0 : i32
      %dma_wait3A_182 = tpu.memref_slice %arg12[%dma_wait3A_181] : memref<1024xi32, #tpu.memory_space<vmem_shared>> -> memref<1024xi32, #tpu.memory_space<vmem_shared>>
      tpu.wait_indirect_dma semaphore(%arg13 : memref<!tpu.dma_semaphore, #tpu.memory_space<semaphore_mem>>) src(%arg7 : memref<128xi32, #tpu.memory_space<vmem>>) dst(%dma_wait3A_182 : memref<1024xi32, #tpu.memory_space<vmem_shared>>)
      %dma_wait3A_183 = arith.constant 11 : i32
      %dma_wait3A_184 = arith.constant 0 : i32
      %dma_wait3A_185 = tpu.memref_slice %arg6[%dma_wait3A_183, %dma_wait3A_184] : memref<16x128xi32, #tpu.memory_space<vmem>> -> memref<1x128xi32, #tpu.memory_space<vmem>>
      %dma_wait3A_186 = tpu.memref_squeeze %dma_wait3A_185 : memref<1x128xi32, #tpu.memory_space<vmem>> -> memref<128xi32, #tpu.memory_space<vmem>>
      %dma_wait3A_187 = arith.constant 0 : i32
      %dma_wait3A_188 = tpu.memref_slice %arg12[%dma_wait3A_187] : memref<1024xi32, #tpu.memory_space<vmem_shared>> -> memref<1024xi32, #tpu.memory_space<vmem_shared>>
      tpu.wait_indirect_dma semaphore(%arg13 : memref<!tpu.dma_semaphore, #tpu.memory_space<semaphore_mem>>) src(%arg7 : memref<128xi32, #tpu.memory_space<vmem>>) dst(%dma_wait3A_188 : memref<1024xi32, #tpu.memory_space<vmem_shared>>)
      %dma_wait3A_189 = arith.constant 12 : i32
      %dma_wait3A_190 = arith.constant 0 : i32
      %dma_wait3A_191 = tpu.memref_slice %arg6[%dma_wait3A_189, %dma_wait3A_190] : memref<16x128xi32, #tpu.memory_space<vmem>> -> memref<1x128xi32, #tpu.memory_space<vmem>>
      %dma_wait3A_192 = tpu.memref_squeeze %dma_wait3A_191 : memref<1x128xi32, #tpu.memory_space<vmem>> -> memref<128xi32, #tpu.memory_space<vmem>>
      %dma_wait3A_193 = arith.constant 0 : i32
      %dma_wait3A_194 = tpu.memref_slice %arg12[%dma_wait3A_193] : memref<1024xi32, #tpu.memory_space<vmem_shared>> -> memref<1024xi32, #tpu.memory_space<vmem_shared>>
      tpu.wait_indirect_dma semaphore(%arg13 : memref<!tpu.dma_semaphore, #tpu.memory_space<semaphore_mem>>) src(%arg7 : memref<128xi32, #tpu.memory_space<vmem>>) dst(%dma_wait3A_194 : memref<1024xi32, #tpu.memory_space<vmem_shared>>)
      %dma_wait3A_195 = arith.constant 13 : i32
      %dma_wait3A_196 = arith.constant 0 : i32
      %dma_wait3A_197 = tpu.memref_slice %arg6[%dma_wait3A_195, %dma_wait3A_196] : memref<16x128xi32, #tpu.memory_space<vmem>> -> memref<1x128xi32, #tpu.memory_space<vmem>>
      %dma_wait3A_198 = tpu.memref_squeeze %dma_wait3A_197 : memref<1x128xi32, #tpu.memory_space<vmem>> -> memref<128xi32, #tpu.memory_space<vmem>>
      %dma_wait3A_199 = arith.constant 0 : i32
      %dma_wait3A_200 = tpu.memref_slice %arg12[%dma_wait3A_199] : memref<1024xi32, #tpu.memory_space<vmem_shared>> -> memref<1024xi32, #tpu.memory_space<vmem_shared>>
      tpu.wait_indirect_dma semaphore(%arg13 : memref<!tpu.dma_semaphore, #tpu.memory_space<semaphore_mem>>) src(%arg7 : memref<128xi32, #tpu.memory_space<vmem>>) dst(%dma_wait3A_200 : memref<1024xi32, #tpu.memory_space<vmem_shared>>)
      %dma_wait3A_201 = arith.constant 14 : i32
      %dma_wait3A_202 = arith.constant 0 : i32
      %dma_wait3A_203 = tpu.memref_slice %arg6[%dma_wait3A_201, %dma_wait3A_202] : memref<16x128xi32, #tpu.memory_space<vmem>> -> memref<1x128xi32, #tpu.memory_space<vmem>>
      %dma_wait3A_204 = tpu.memref_squeeze %dma_wait3A_203 : memref<1x128xi32, #tpu.memory_space<vmem>> -> memref<128xi32, #tpu.memory_space<vmem>>
      %dma_wait3A_205 = arith.constant 0 : i32
      %dma_wait3A_206 = tpu.memref_slice %arg12[%dma_wait3A_205] : memref<1024xi32, #tpu.memory_space<vmem_shared>> -> memref<1024xi32, #tpu.memory_space<vmem_shared>>
      tpu.wait_indirect_dma semaphore(%arg13 : memref<!tpu.dma_semaphore, #tpu.memory_space<semaphore_mem>>) src(%arg7 : memref<128xi32, #tpu.memory_space<vmem>>) dst(%dma_wait3A_206 : memref<1024xi32, #tpu.memory_space<vmem_shared>>)
      %dma_wait3A_207 = arith.constant 15 : i32
      %dma_wait3A_208 = arith.constant 0 : i32
      %dma_wait3A_209 = tpu.memref_slice %arg6[%dma_wait3A_207, %dma_wait3A_208] : memref<16x128xi32, #tpu.memory_space<vmem>> -> memref<1x128xi32, #tpu.memory_space<vmem>>
      %dma_wait3A_210 = tpu.memref_squeeze %dma_wait3A_209 : memref<1x128xi32, #tpu.memory_space<vmem>> -> memref<128xi32, #tpu.memory_space<vmem>>
      %dma_wait3A_211 = arith.constant 0 : i32
      %dma_wait3A_212 = tpu.memref_slice %arg12[%dma_wait3A_211] : memref<1024xi32, #tpu.memory_space<vmem_shared>> -> memref<1024xi32, #tpu.memory_space<vmem_shared>>
      tpu.wait_indirect_dma semaphore(%arg13 : memref<!tpu.dma_semaphore, #tpu.memory_space<semaphore_mem>>) src(%arg7 : memref<128xi32, #tpu.memory_space<vmem>>) dst(%dma_wait3A_212 : memref<1024xi32, #tpu.memory_space<vmem_shared>>)
    } else {
    }
    %barrier3A_14 = arith.constant 0 : index
    tpu.barrier barrier_id(%barrier3A_14)
    %eq3A_15 = arith.constant 0 : i32
    %eq3A_16 = arith.cmpi eq, %arg0, %eq3A_15 : i32
    %eq3A_17 = arith.constant 0 : i32
    %eq3A_18 = arith.cmpi eq, %arg1, %eq3A_17 : i32
    %and3A_19 = arith.andi %eq3A_16, %eq3A_18 : i1
    %convert_element_type3A_20 = arith.extui %and3A_19 : i1 to i32
    %cond3A_21 = arith.constant 0 : i32
    %cond3A_22 = arith.cmpi ne, %convert_element_type3A_20, %cond3A_21 : i32
    scf.if %cond3A_22 {
      "tpu.region"() ({
        %run_scoped3A = tpu.sem_alloc : memref<!tpu.dma_semaphore, #tpu.memory_space<semaphore_mem>>
        tpu.enqueue_dma source(%arg12 : memref<1024xi32, #tpu.memory_space<vmem_shared>>) target(%arg10 : memref<1024xi32, #tpu.memory_space<vmem>>) target_semaphore(%run_scoped3A : memref<!tpu.dma_semaphore, #tpu.memory_space<semaphore_mem>>)
        tpu.wait_dma2 semaphore(%run_scoped3A : memref<!tpu.dma_semaphore, #tpu.memory_space<semaphore_mem>>) src(%arg12 : memref<1024xi32, #tpu.memory_space<vmem_shared>>) dst(%arg10 : memref<1024xi32, #tpu.memory_space<vmem>>)
        tpu.yield
      }) : () -> ()
      %broadcast_in_dim3A = arith.constant 0 : i32
      %broadcast_in_dim3A_23 = vector.broadcast %broadcast_in_dim3A : i32 to vector<16xi32>
      %get3A = arith.constant 0 : index
      %get3A_24 = tpu.vector_load %arg10[%get3A] {strides = array<i32>} : memref<1024xi32, #tpu.memory_space<vmem>>, vector<16xi32>,
      %add3A = arith.addi %broadcast_in_dim3A_23, %get3A_24 : vector<16xi32>
      %get3A_25 = arith.constant 64 : index
      %get3A_26 = tpu.vector_load %arg10[%get3A_25] {strides = array<i32>} : memref<1024xi32, #tpu.memory_space<vmem>>, vector<16xi32>,
      %add3A_27 = arith.addi %add3A, %get3A_26 : vector<16xi32>
      %get3A_28 = arith.constant 128 : index
      %get3A_29 = tpu.vector_load %arg10[%get3A_28] {strides = array<i32>} : memref<1024xi32, #tpu.memory_space<vmem>>, vector<16xi32>,
      %add3A_30 = arith.addi %add3A_27, %get3A_29 : vector<16xi32>
      %get3A_31 = arith.constant 192 : index
      %get3A_32 = tpu.vector_load %arg10[%get3A_31] {strides = array<i32>} : memref<1024xi32, #tpu.memory_space<vmem>>, vector<16xi32>,
      %add3A_33 = arith.addi %add3A_30, %get3A_32 : vector<16xi32>
      %get3A_34 = arith.constant 256 : index
      %get3A_35 = tpu.vector_load %arg10[%get3A_34] {strides = array<i32>} : memref<1024xi32, #tpu.memory_space<vmem>>, vector<16xi32>,
      %add3A_36 = arith.addi %add3A_33, %get3A_35 : vector<16xi32>
      %get3A_37 = arith.constant 320 : index
      %get3A_38 = tpu.vector_load %arg10[%get3A_37] {strides = array<i32>} : memref<1024xi32, #tpu.memory_space<vmem>>, vector<16xi32>,
      %add3A_39 = arith.addi %add3A_36, %get3A_38 : vector<16xi32>
      %get3A_40 = arith.constant 384 : index
      %get3A_41 = tpu.vector_load %arg10[%get3A_40] {strides = array<i32>} : memref<1024xi32, #tpu.memory_space<vmem>>, vector<16xi32>,
      %add3A_42 = arith.addi %add3A_39, %get3A_41 : vector<16xi32>
      %get3A_43 = arith.constant 448 : index
      %get3A_44 = tpu.vector_load %arg10[%get3A_43] {strides = array<i32>} : memref<1024xi32, #tpu.memory_space<vmem>>, vector<16xi32>,
      %add3A_45 = arith.addi %add3A_42, %get3A_44 : vector<16xi32>
      %get3A_46 = arith.constant 512 : index
      %get3A_47 = tpu.vector_load %arg10[%get3A_46] {strides = array<i32>} : memref<1024xi32, #tpu.memory_space<vmem>>, vector<16xi32>,
      %add3A_48 = arith.addi %add3A_45, %get3A_47 : vector<16xi32>
      %get3A_49 = arith.constant 576 : index
      %get3A_50 = tpu.vector_load %arg10[%get3A_49] {strides = array<i32>} : memref<1024xi32, #tpu.memory_space<vmem>>, vector<16xi32>,
      %add3A_51 = arith.addi %add3A_48, %get3A_50 : vector<16xi32>
      %get3A_52 = arith.constant 640 : index
      %get3A_53 = tpu.vector_load %arg10[%get3A_52] {strides = array<i32>} : memref<1024xi32, #tpu.memory_space<vmem>>, vector<16xi32>,
      %add3A_54 = arith.addi %add3A_51, %get3A_53 : vector<16xi32>
      %get3A_55 = arith.constant 704 : index
      %get3A_56 = tpu.vector_load %arg10[%get3A_55] {strides = array<i32>} : memref<1024xi32, #tpu.memory_space<vmem>>, vector<16xi32>,
      %add3A_57 = arith.addi %add3A_54, %get3A_56 : vector<16xi32>
      %get3A_58 = arith.constant 768 : index
      %get3A_59 = tpu.vector_load %arg10[%get3A_58] {strides = array<i32>} : memref<1024xi32, #tpu.memory_space<vmem>>, vector<16xi32>,
      %add3A_60 = arith.addi %add3A_57, %get3A_59 : vector<16xi32>
      %get3A_61 = arith.constant 832 : index
      %get3A_62 = tpu.vector_load %arg10[%get3A_61] {strides = array<i32>} : memref<1024xi32, #tpu.memory_space<vmem>>, vector<16xi32>,
      %add3A_63 = arith.addi %add3A_60, %get3A_62 : vector<16xi32>
      %get3A_64 = arith.constant 896 : index
      %get3A_65 = tpu.vector_load %arg10[%get3A_64] {strides = array<i32>} : memref<1024xi32, #tpu.memory_space<vmem>>, vector<16xi32>,
      %add3A_66 = arith.addi %add3A_63, %get3A_65 : vector<16xi32>
      %get3A_67 = arith.constant 960 : index
      %get3A_68 = tpu.vector_load %arg10[%get3A_67] {strides = array<i32>} : memref<1024xi32, #tpu.memory_space<vmem>>, vector<16xi32>,
      %add3A_69 = arith.addi %add3A_66, %get3A_68 : vector<16xi32>
      %broadcast_in_dim3A_70 = arith.constant 0 : i32
      %broadcast_in_dim3A_71 = vector.broadcast %broadcast_in_dim3A_70 : i32 to vector<16xi32>
      %get3A_72 = arith.constant 16 : index
      %get3A_73 = tpu.vector_load %arg10[%get3A_72] {strides = array<i32>} : memref<1024xi32, #tpu.memory_space<vmem>>, vector<16xi32>,
      %add3A_74 = arith.addi %broadcast_in_dim3A_71, %get3A_73 : vector<16xi32>
      %get3A_75 = arith.constant 80 : index
      %get3A_76 = tpu.vector_load %arg10[%get3A_75] {strides = array<i32>} : memref<1024xi32, #tpu.memory_space<vmem>>, vector<16xi32>,
      %add3A_77 = arith.addi %add3A_74, %get3A_76 : vector<16xi32>
      %get3A_78 = arith.constant 144 : index
      %get3A_79 = tpu.vector_load %arg10[%get3A_78] {strides = array<i32>} : memref<1024xi32, #tpu.memory_space<vmem>>, vector<16xi32>,
      %add3A_80 = arith.addi %add3A_77, %get3A_79 : vector<16xi32>
      %get3A_81 = arith.constant 208 : index
      %get3A_82 = tpu.vector_load %arg10[%get3A_81] {strides = array<i32>} : memref<1024xi32, #tpu.memory_space<vmem>>, vector<16xi32>,
      %add3A_83 = arith.addi %add3A_80, %get3A_82 : vector<16xi32>
      %get3A_84 = arith.constant 272 : index
      %get3A_85 = tpu.vector_load %arg10[%get3A_84] {strides = array<i32>} : memref<1024xi32, #tpu.memory_space<vmem>>, vector<16xi32>,
      %add3A_86 = arith.addi %add3A_83, %get3A_85 : vector<16xi32>
      %get3A_87 = arith.constant 336 : index
      %get3A_88 = tpu.vector_load %arg10[%get3A_87] {strides = array<i32>} : memref<1024xi32, #tpu.memory_space<vmem>>, vector<16xi32>,
      %add3A_89 = arith.addi %add3A_86, %get3A_88 : vector<16xi32>
      %get3A_90 = arith.constant 400 : index
      %get3A_91 = tpu.vector_load %arg10[%get3A_90] {strides = array<i32>} : memref<1024xi32, #tpu.memory_space<vmem>>, vector<16xi32>,
      %add3A_92 = arith.addi %add3A_89, %get3A_91 : vector<16xi32>
      %get3A_93 = arith.constant 464 : index
      %get3A_94 = tpu.vector_load %arg10[%get3A_93] {strides = array<i32>} : memref<1024xi32, #tpu.memory_space<vmem>>, vector<16xi32>,
      %add3A_95 = arith.addi %add3A_92, %get3A_94 : vector<16xi32>
      %get3A_96 = arith.constant 528 : index
      %get3A_97 = tpu.vector_load %arg10[%get3A_96] {strides = array<i32>} : memref<1024xi32, #tpu.memory_space<vmem>>, vector<16xi32>,
      %add3A_98 = arith.addi %add3A_95, %get3A_97 : vector<16xi32>
      %get3A_99 = arith.constant 592 : index
      %get3A_100 = tpu.vector_load %arg10[%get3A_99] {strides = array<i32>} : memref<1024xi32, #tpu.memory_space<vmem>>, vector<16xi32>,
      %add3A_101 = arith.addi %add3A_98, %get3A_100 : vector<16xi32>
      %get3A_102 = arith.constant 656 : index
      %get3A_103 = tpu.vector_load %arg10[%get3A_102] {strides = array<i32>} : memref<1024xi32, #tpu.memory_space<vmem>>, vector<16xi32>,
      %add3A_104 = arith.addi %add3A_101, %get3A_103 : vector<16xi32>
      %get3A_105 = arith.constant 720 : index
      %get3A_106 = tpu.vector_load %arg10[%get3A_105] {strides = array<i32>} : memref<1024xi32, #tpu.memory_space<vmem>>, vector<16xi32>,
      %add3A_107 = arith.addi %add3A_104, %get3A_106 : vector<16xi32>
      %get3A_108 = arith.constant 784 : index
      %get3A_109 = tpu.vector_load %arg10[%get3A_108] {strides = array<i32>} : memref<1024xi32, #tpu.memory_space<vmem>>, vector<16xi32>,
      %add3A_110 = arith.addi %add3A_107, %get3A_109 : vector<16xi32>
      %get3A_111 = arith.constant 848 : index
      %get3A_112 = tpu.vector_load %arg10[%get3A_111] {strides = array<i32>} : memref<1024xi32, #tpu.memory_space<vmem>>, vector<16xi32>,
      %add3A_113 = arith.addi %add3A_110, %get3A_112 : vector<16xi32>
      %get3A_114 = arith.constant 912 : index
      %get3A_115 = tpu.vector_load %arg10[%get3A_114] {strides = array<i32>} : memref<1024xi32, #tpu.memory_space<vmem>>, vector<16xi32>,
      %add3A_116 = arith.addi %add3A_113, %get3A_115 : vector<16xi32>
      %get3A_117 = arith.constant 976 : index
      %get3A_118 = tpu.vector_load %arg10[%get3A_117] {strides = array<i32>} : memref<1024xi32, #tpu.memory_space<vmem>>, vector<16xi32>,
      %add3A_119 = arith.addi %add3A_116, %get3A_118 : vector<16xi32>
      %broadcast_in_dim3A_120 = arith.constant 0 : i32
      %broadcast_in_dim3A_121 = vector.broadcast %broadcast_in_dim3A_120 : i32 to vector<16xi32>
      %get3A_122 = arith.constant 32 : index
      %get3A_123 = tpu.vector_load %arg10[%get3A_122] {strides = array<i32>} : memref<1024xi32, #tpu.memory_space<vmem>>, vector<16xi32>,
      %add3A_124 = arith.addi %broadcast_in_dim3A_121, %get3A_123 : vector<16xi32>
      %get3A_125 = arith.constant 96 : index
      %get3A_126 = tpu.vector_load %arg10[%get3A_125] {strides = array<i32>} : memref<1024xi32, #tpu.memory_space<vmem>>, vector<16xi32>,
      %add3A_127 = arith.addi %add3A_124, %get3A_126 : vector<16xi32>
      %get3A_128 = arith.constant 160 : index
      %get3A_129 = tpu.vector_load %arg10[%get3A_128] {strides = array<i32>} : memref<1024xi32, #tpu.memory_space<vmem>>, vector<16xi32>,
      %add3A_130 = arith.addi %add3A_127, %get3A_129 : vector<16xi32>
      %get3A_131 = arith.constant 224 : index
      %get3A_132 = tpu.vector_load %arg10[%get3A_131] {strides = array<i32>} : memref<1024xi32, #tpu.memory_space<vmem>>, vector<16xi32>,
      %add3A_133 = arith.addi %add3A_130, %get3A_132 : vector<16xi32>
      %get3A_134 = arith.constant 288 : index
      %get3A_135 = tpu.vector_load %arg10[%get3A_134] {strides = array<i32>} : memref<1024xi32, #tpu.memory_space<vmem>>, vector<16xi32>,
      %add3A_136 = arith.addi %add3A_133, %get3A_135 : vector<16xi32>
      %get3A_137 = arith.constant 352 : index
      %get3A_138 = tpu.vector_load %arg10[%get3A_137] {strides = array<i32>} : memref<1024xi32, #tpu.memory_space<vmem>>, vector<16xi32>,
      %add3A_139 = arith.addi %add3A_136, %get3A_138 : vector<16xi32>
      %get3A_140 = arith.constant 416 : index
      %get3A_141 = tpu.vector_load %arg10[%get3A_140] {strides = array<i32>} : memref<1024xi32, #tpu.memory_space<vmem>>, vector<16xi32>,
      %add3A_142 = arith.addi %add3A_139, %get3A_141 : vector<16xi32>
      %get3A_143 = arith.constant 480 : index
      %get3A_144 = tpu.vector_load %arg10[%get3A_143] {strides = array<i32>} : memref<1024xi32, #tpu.memory_space<vmem>>, vector<16xi32>,
      %add3A_145 = arith.addi %add3A_142, %get3A_144 : vector<16xi32>
      %get3A_146 = arith.constant 544 : index
      %get3A_147 = tpu.vector_load %arg10[%get3A_146] {strides = array<i32>} : memref<1024xi32, #tpu.memory_space<vmem>>, vector<16xi32>,
      %add3A_148 = arith.addi %add3A_145, %get3A_147 : vector<16xi32>
      %get3A_149 = arith.constant 608 : index
      %get3A_150 = tpu.vector_load %arg10[%get3A_149] {strides = array<i32>} : memref<1024xi32, #tpu.memory_space<vmem>>, vector<16xi32>,
      %add3A_151 = arith.addi %add3A_148, %get3A_150 : vector<16xi32>
      %get3A_152 = arith.constant 672 : index
      %get3A_153 = tpu.vector_load %arg10[%get3A_152] {strides = array<i32>} : memref<1024xi32, #tpu.memory_space<vmem>>, vector<16xi32>,
      %add3A_154 = arith.addi %add3A_151, %get3A_153 : vector<16xi32>
      %get3A_155 = arith.constant 736 : index
      %get3A_156 = tpu.vector_load %arg10[%get3A_155] {strides = array<i32>} : memref<1024xi32, #tpu.memory_space<vmem>>, vector<16xi32>,
      %add3A_157 = arith.addi %add3A_154, %get3A_156 : vector<16xi32>
      %get3A_158 = arith.constant 800 : index
      %get3A_159 = tpu.vector_load %arg10[%get3A_158] {strides = array<i32>} : memref<1024xi32, #tpu.memory_space<vmem>>, vector<16xi32>,
      %add3A_160 = arith.addi %add3A_157, %get3A_159 : vector<16xi32>
      %get3A_161 = arith.constant 864 : index
      %get3A_162 = tpu.vector_load %arg10[%get3A_161] {strides = array<i32>} : memref<1024xi32, #tpu.memory_space<vmem>>, vector<16xi32>,
      %add3A_163 = arith.addi %add3A_160, %get3A_162 : vector<16xi32>
      %get3A_164 = arith.constant 928 : index
      %get3A_165 = tpu.vector_load %arg10[%get3A_164] {strides = array<i32>} : memref<1024xi32, #tpu.memory_space<vmem>>, vector<16xi32>,
      %add3A_166 = arith.addi %add3A_163, %get3A_165 : vector<16xi32>
      %get3A_167 = arith.constant 992 : index
      %get3A_168 = tpu.vector_load %arg10[%get3A_167] {strides = array<i32>} : memref<1024xi32, #tpu.memory_space<vmem>>, vector<16xi32>,
      %add3A_169 = arith.addi %add3A_166, %get3A_168 : vector<16xi32>
      %broadcast_in_dim3A_170 = arith.constant 0 : i32
      %broadcast_in_dim3A_171 = vector.broadcast %broadcast_in_dim3A_170 : i32 to vector<16xi32>
      %get3A_172 = arith.constant 48 : index
      %get3A_173 = tpu.vector_load %arg10[%get3A_172] {strides = array<i32>} : memref<1024xi32, #tpu.memory_space<vmem>>, vector<16xi32>,
      %add3A_174 = arith.addi %broadcast_in_dim3A_171, %get3A_173 : vector<16xi32>
      %get3A_175 = arith.constant 112 : index
      %get3A_176 = tpu.vector_load %arg10[%get3A_175] {strides = array<i32>} : memref<1024xi32, #tpu.memory_space<vmem>>, vector<16xi32>,
      %add3A_177 = arith.addi %add3A_174, %get3A_176 : vector<16xi32>
      %get3A_178 = arith.constant 176 : index
      %get3A_179 = tpu.vector_load %arg10[%get3A_178] {strides = array<i32>} : memref<1024xi32, #tpu.memory_space<vmem>>, vector<16xi32>,
      %add3A_180 = arith.addi %add3A_177, %get3A_179 : vector<16xi32>
      %get3A_181 = arith.constant 240 : index
      %get3A_182 = tpu.vector_load %arg10[%get3A_181] {strides = array<i32>} : memref<1024xi32, #tpu.memory_space<vmem>>, vector<16xi32>,
      %add3A_183 = arith.addi %add3A_180, %get3A_182 : vector<16xi32>
      %get3A_184 = arith.constant 304 : index
      %get3A_185 = tpu.vector_load %arg10[%get3A_184] {strides = array<i32>} : memref<1024xi32, #tpu.memory_space<vmem>>, vector<16xi32>,
      %add3A_186 = arith.addi %add3A_183, %get3A_185 : vector<16xi32>
      %get3A_187 = arith.constant 368 : index
      %get3A_188 = tpu.vector_load %arg10[%get3A_187] {strides = array<i32>} : memref<1024xi32, #tpu.memory_space<vmem>>, vector<16xi32>,
      %add3A_189 = arith.addi %add3A_186, %get3A_188 : vector<16xi32>
      %get3A_190 = arith.constant 432 : index
      %get3A_191 = tpu.vector_load %arg10[%get3A_190] {strides = array<i32>} : memref<1024xi32, #tpu.memory_space<vmem>>, vector<16xi32>,
      %add3A_192 = arith.addi %add3A_189, %get3A_191 : vector<16xi32>
      %get3A_193 = arith.constant 496 : index
      %get3A_194 = tpu.vector_load %arg10[%get3A_193] {strides = array<i32>} : memref<1024xi32, #tpu.memory_space<vmem>>, vector<16xi32>,
      %add3A_195 = arith.addi %add3A_192, %get3A_194 : vector<16xi32>
      %get3A_196 = arith.constant 560 : index
      %get3A_197 = tpu.vector_load %arg10[%get3A_196] {strides = array<i32>} : memref<1024xi32, #tpu.memory_space<vmem>>, vector<16xi32>,
      %add3A_198 = arith.addi %add3A_195, %get3A_197 : vector<16xi32>
      %get3A_199 = arith.constant 624 : index
      %get3A_200 = tpu.vector_load %arg10[%get3A_199] {strides = array<i32>} : memref<1024xi32, #tpu.memory_space<vmem>>, vector<16xi32>,
      %add3A_201 = arith.addi %add3A_198, %get3A_200 : vector<16xi32>
      %get3A_202 = arith.constant 688 : index
      %get3A_203 = tpu.vector_load %arg10[%get3A_202] {strides = array<i32>} : memref<1024xi32, #tpu.memory_space<vmem>>, vector<16xi32>,
      %add3A_204 = arith.addi %add3A_201, %get3A_203 : vector<16xi32>
      %get3A_205 = arith.constant 752 : index
      %get3A_206 = tpu.vector_load %arg10[%get3A_205] {strides = array<i32>} : memref<1024xi32, #tpu.memory_space<vmem>>, vector<16xi32>,
      %add3A_207 = arith.addi %add3A_204, %get3A_206 : vector<16xi32>
      %get3A_208 = arith.constant 816 : index
      %get3A_209 = tpu.vector_load %arg10[%get3A_208] {strides = array<i32>} : memref<1024xi32, #tpu.memory_space<vmem>>, vector<16xi32>,
      %add3A_210 = arith.addi %add3A_207, %get3A_209 : vector<16xi32>
      %get3A_211 = arith.constant 880 : index
      %get3A_212 = tpu.vector_load %arg10[%get3A_211] {strides = array<i32>} : memref<1024xi32, #tpu.memory_space<vmem>>, vector<16xi32>,
      %add3A_213 = arith.addi %add3A_210, %get3A_212 : vector<16xi32>
      %get3A_214 = arith.constant 944 : index
      %get3A_215 = tpu.vector_load %arg10[%get3A_214] {strides = array<i32>} : memref<1024xi32, #tpu.memory_space<vmem>>, vector<16xi32>,
      %add3A_216 = arith.addi %add3A_213, %get3A_215 : vector<16xi32>
      %get3A_217 = arith.constant 1008 : index
      %get3A_218 = tpu.vector_load %arg10[%get3A_217] {strides = array<i32>} : memref<1024xi32, #tpu.memory_space<vmem>>, vector<16xi32>,
      %add3A_219 = arith.addi %add3A_216, %get3A_218 : vector<16xi32>
      %broadcast_in_dim3A_220 = arith.constant 0.000000e+00 : f32
      %broadcast_in_dim3A_221 = vector.broadcast %broadcast_in_dim3A_220 : f32 to vector<16xf32>
      %swap3A = arith.constant 0 : index
      %swap3A_222 = tpu.vector_load %arg9[%swap3A] {strides = array<i32>} : memref<64xi32, #tpu.memory_space<vmem>>, vector<16xi32>,
      tpu.vector_store %arg9[%swap3A], %add3A_69 {strides = array<i32>} : memref<64xi32, #tpu.memory_space<vmem>>, vector<16xi32>,
      %convert_element_type3A_223 = arith.sitofp %add3A_69 : vector<16xi32> to vector<16xf32>
      %get3A_224 = arith.constant 0 : index
      %get3A_225 = tpu.vector_load %arg8[%get3A_224] {strides = array<i32>} : memref<128xf32, #tpu.memory_space<vmem>>, vector<16xf32>,
      %mul3A = arith.mulf %convert_element_type3A_223, %get3A_225 : vector<16xf32>
      %add3A_226 = arith.addf %broadcast_in_dim3A_221, %mul3A : vector<16xf32>
      %swap3A_227 = arith.constant 16 : index
      %swap3A_228 = tpu.vector_load %arg9[%swap3A_227] {strides = array<i32>} : memref<64xi32, #tpu.memory_space<vmem>>, vector<16xi32>,
      tpu.vector_store %arg9[%swap3A_227], %add3A_119 {strides = array<i32>} : memref<64xi32, #tpu.memory_space<vmem>>, vector<16xi32>,
      %convert_element_type3A_229 = arith.sitofp %add3A_119 : vector<16xi32> to vector<16xf32>
      %get3A_230 = arith.constant 16 : index
      %get3A_231 = tpu.vector_load %arg8[%get3A_230] {strides = array<i32>} : memref<128xf32, #tpu.memory_space<vmem>>, vector<16xf32>,
      %mul3A_232 = arith.mulf %convert_element_type3A_229, %get3A_231 : vector<16xf32>
      %add3A_233 = arith.addf %add3A_226, %mul3A_232 : vector<16xf32>
      %swap3A_234 = arith.constant 32 : index
      %swap3A_235 = tpu.vector_load %arg9[%swap3A_234] {strides = array<i32>} : memref<64xi32, #tpu.memory_space<vmem>>, vector<16xi32>,
      tpu.vector_store %arg9[%swap3A_234], %add3A_169 {strides = array<i32>} : memref<64xi32, #tpu.memory_space<vmem>>, vector<16xi32>,
      %convert_element_type3A_236 = arith.sitofp %add3A_169 : vector<16xi32> to vector<16xf32>
      %get3A_237 = arith.constant 32 : index
      %get3A_238 = tpu.vector_load %arg8[%get3A_237] {strides = array<i32>} : memref<128xf32, #tpu.memory_space<vmem>>, vector<16xf32>,
      %mul3A_239 = arith.mulf %convert_element_type3A_236, %get3A_238 : vector<16xf32>
      %add3A_240 = arith.addf %add3A_233, %mul3A_239 : vector<16xf32>
      %swap3A_241 = arith.constant 48 : index
      %swap3A_242 = tpu.vector_load %arg9[%swap3A_241] {strides = array<i32>} : memref<64xi32, #tpu.memory_space<vmem>>, vector<16xi32>,
      tpu.vector_store %arg9[%swap3A_241], %add3A_219 {strides = array<i32>} : memref<64xi32, #tpu.memory_space<vmem>>, vector<16xi32>,
      %convert_element_type3A_243 = arith.sitofp %add3A_219 : vector<16xi32> to vector<16xf32>
      %get3A_244 = arith.constant 48 : index
      %get3A_245 = tpu.vector_load %arg8[%get3A_244] {strides = array<i32>} : memref<128xf32, #tpu.memory_space<vmem>>, vector<16xf32>,
      %mul3A_246 = arith.mulf %convert_element_type3A_243, %get3A_245 : vector<16xf32>
      %add3A_247 = arith.addf %add3A_240, %mul3A_246 : vector<16xf32>
      %reduce_sum3A = arith.constant true
      %reduce_sum3A_248 = vector.broadcast %reduce_sum3A : i1 to vector<16xi1>
      %reduce_sum3A_249 = tpu.scan <sum>, %add3A_247 masked %reduce_sum3A_248 : vector<16xf32>, vector<16xi1> -> vector<16xf32>
      %reduce_sum3A_250 = vector.extract %reduce_sum3A_249[15] : f32 from vector<16xf32>
      %get3A_251 = arith.constant 64 : index
      %get3A_252 = tpu.vector_load %arg8[%get3A_251] {strides = array<i32>} : memref<128xf32, #tpu.memory_space<vmem>>, vector<16xf32>,
      %mul3A_253 = arith.constant 5.96046434E-10 : f32
      %mul3A_254 = arith.mulf %mul3A_253, %reduce_sum3A_250 : f32
      %broadcast_in_dim3A_255 = vector.broadcast %mul3A_254 : f32 to vector<16xf32>
      %mul3A_256 = arith.constant 3.05175796E-8 : f32
      %mul3A_257 = vector.broadcast %mul3A_256 : f32 to vector<16xf32>
      %mul3A_258 = arith.mulf %get3A_252, %mul3A_257 : vector<16xf32>
      %add3A_259 = arith.addf %broadcast_in_dim3A_255, %mul3A_258 : vector<16xf32>
      %swap3A_260 = arith.constant 0 : index
      %swap3A_261 = tpu.vector_load %arg11[%swap3A_260] {strides = array<i32>} : memref<16xf32, #tpu.memory_space<vmem>>, vector<16xf32>,
      tpu.vector_store %arg11[%swap3A_260], %add3A_259 {strides = array<i32>} : memref<16xf32, #tpu.memory_space<vmem>>, vector<16xf32>,
      "tpu.region"() ({
        %run_scoped3A = tpu.sem_alloc : memref<!tpu.dma_semaphore, #tpu.memory_space<semaphore_mem>>
        tpu.enqueue_dma source(%arg9 : memref<64xi32, #tpu.memory_space<vmem>>) target(%arg4 : memref<64xi32, #tpu.memory_space<hbm>>) target_semaphore(%run_scoped3A : memref<!tpu.dma_semaphore, #tpu.memory_space<semaphore_mem>>)
        tpu.wait_dma2 semaphore(%run_scoped3A : memref<!tpu.dma_semaphore, #tpu.memory_space<semaphore_mem>>) src(%arg9 : memref<64xi32, #tpu.memory_space<vmem>>) dst(%arg4 : memref<64xi32, #tpu.memory_space<hbm>>)
        tpu.yield
      }) : () -> ()
      "tpu.region"() ({
        %run_scoped3A = tpu.sem_alloc : memref<!tpu.dma_semaphore, #tpu.memory_space<semaphore_mem>>
        tpu.enqueue_dma source(%arg11 : memref<16xf32, #tpu.memory_space<vmem>>) target(%arg5 : memref<16xf32, #tpu.memory_space<hbm>>) target_semaphore(%run_scoped3A : memref<!tpu.dma_semaphore, #tpu.memory_space<semaphore_mem>>)
        tpu.wait_dma2 semaphore(%run_scoped3A : memref<!tpu.dma_semaphore, #tpu.memory_space<semaphore_mem>>) src(%arg11 : memref<16xf32, #tpu.memory_space<vmem>>) dst(%arg5 : memref<16xf32, #tpu.memory_space<hbm>>)
        tpu.yield
      }) : () -> ()
    } else {
    }
    return
  }
}

module attributes {stable_mosaic.version = 14 : i64} {
  func.func @_router_body(%arg0: i32, %arg1: memref<4096x768xf32, #tpu.memory_space<vmem>>, %arg2: memref<768x64xf32, #tpu.memory_space<vmem>>, %arg3: memref<4096xi32, #tpu.memory_space<vmem>>, %arg4: memref<4096xf32, #tpu.memory_space<vmem>>, %arg5: memref<4096xi32, #tpu.memory_space<vmem>>, %arg6: memref<128xf32, #tpu.memory_space<vmem>>, %arg7: memref<64x128xf32, #tpu.memory_space<vmem>>, %arg8: memref<1x128xf32, #tpu.memory_space<vmem>>) attributes {dimension_semantics = [#tpu.dimension_semantics<arbitrary>], iteration_bounds = array<i64: 8>, scalar_prefetch = 0 : i64, scratch_operands = 2 : i64, tpu.core_type = #tpu.core_type<tc>, window_params = [{transform_indices = @transform_0, window_bounds = array<i64: 4096, 768>}, {pipeline_mode = #tpu.pipeline_mode<synchronous>, transform_indices = @transform_1, window_bounds = array<i64: 768, 64>}, {transform_indices = @transform_2, window_bounds = array<i64: 4096>}, {transform_indices = @transform_3, window_bounds = array<i64: 4096>}, {transform_indices = @transform_4, window_bounds = array<i64: 4096>}, {pipeline_mode = #tpu.pipeline_mode<synchronous>, transform_indices = @transform_5, window_bounds = array<i64: 128>}]} {
    %get3A = arith.constant 0 : index
    %get3A_0 = arith.constant 0 : index
    %get3A_1 = vector.load %arg2[%get3A, %get3A_0] : memref<768x64xf32, #tpu.memory_space<vmem>>, vector<768x64xf32>
    %get3A_2 = arith.constant 0 : index
    %get3A_3 = arith.constant 0 : index
    %get3A_4 = vector.load %arg1[%get3A_2, %get3A_3] : memref<4096x768xf32, #tpu.memory_space<vmem>>, vector<4096x768xf32>
    %dot_general3A = arith.constant dense<0.000000e+00> : vector<64x4096xf32>
    %dot_general3A_5 = tpu.matmul %get3A_1, %get3A_4, %dot_general3A {dimension_numbers = #tpu.dot_dimension_numbers<[0], [1], [1], [0], [0, 1, 1, 0], [], []>, transpose_lhs_hint = false} : vector<768x64xf32>, vector<4096x768xf32>, vector<64x4096xf32> -> vector<64x4096xf32>
    %reduce_max3A = arith.constant dense<0xFF800000> : vector<4096xf32>
    %reduce_max3A_6 = vector.multi_reduction <maximumf>, %dot_general3A_5, %reduce_max3A [0] : vector<64x4096xf32> to vector<4096xf32>
    %broadcast_in_dim3A = vector.shape_cast %reduce_max3A_6 : vector<4096xf32> to vector<1x4096xf32>
    %sub3A = vector.broadcast %broadcast_in_dim3A : vector<1x4096xf32> to vector<64x4096xf32>
    %sub3A_7 = arith.subf %dot_general3A_5, %sub3A : vector<64x4096xf32>
    %exp3A = math.exp %sub3A_7 : vector<64x4096xf32>
    %reduce_sum3A = arith.constant dense<0.000000e+00> : vector<4096xf32>
    %reduce_sum3A_8 = vector.multi_reduction <add>, %exp3A, %reduce_sum3A [0] : vector<64x4096xf32> to vector<4096xf32>
    %broadcast_in_dim3A_9 = vector.shape_cast %reduce_sum3A_8 : vector<4096xf32> to vector<1x4096xf32>
    %iota3A = tpu.iota {dimensions = array<i32: 0>} : vector<64x4096xi32>
    %ge3A = vector.broadcast %broadcast_in_dim3A : vector<1x4096xf32> to vector<64x4096xf32>
    %ge3A_10 = arith.cmpf oge, %dot_general3A_5, %ge3A : vector<64x4096xf32>
    %jit3A = arith.constant 64 : i32
    %broadcast_in_dim3A_11 = vector.broadcast %jit3A : i32 to vector<64x4096xi32>
    %select_n3A = arith.select %ge3A_10, %iota3A, %broadcast_in_dim3A_11 : vector<64x4096xi1>, vector<64x4096xi32>
    %reduce_min3A = arith.constant dense<2147483647> : vector<4096xi32>
    %reduce_min3A_12 = vector.multi_reduction <minsi>, %select_n3A, %reduce_min3A [0] : vector<64x4096xi32> to vector<4096xi32>
    %swap3A = arith.constant 0 : index
    %swap3A_13 = vector.load %arg3[%swap3A] : memref<4096xi32, #tpu.memory_space<vmem>>, vector<4096xi32>
    tpu.vector_store %arg3[%swap3A], %reduce_min3A_12 {strides = array<i32>} : memref<4096xi32, #tpu.memory_space<vmem>>, vector<4096xi32>,
    %squeeze3A = vector.shape_cast %broadcast_in_dim3A_9 : vector<1x4096xf32> to vector<4096xf32>
    %div3A = arith.constant 1.000000e+00 : f32
    %div3A_14 = vector.broadcast %div3A : f32 to vector<4096xf32>
    %div3A_15 = arith.divf %div3A_14, %squeeze3A : vector<4096xf32>
    %swap3A_16 = arith.constant 0 : index
    %swap3A_17 = vector.load %arg4[%swap3A_16] : memref<4096xf32, #tpu.memory_space<vmem>>, vector<4096xf32>
    tpu.vector_store %arg4[%swap3A_16], %div3A_15 {strides = array<i32>} : memref<4096xf32, #tpu.memory_space<vmem>>, vector<4096xf32>,
    %squeeze3A_18 = vector.shape_cast %broadcast_in_dim3A : vector<1x4096xf32> to vector<4096xf32>
    %squeeze3A_19 = vector.shape_cast %broadcast_in_dim3A_9 : vector<1x4096xf32> to vector<4096xf32>
    %log3A = math.log %squeeze3A_19 : vector<4096xf32>
    %add3A = arith.addf %squeeze3A_18, %log3A : vector<4096xf32>
    %mul3A = arith.constant 4096 : i32
    %mul3A_20 = arith.muli %arg0, %mul3A : i32
    %iota3A_21 = tpu.iota {dimensions = array<i32: 1>} : vector<1x4096xi32>
    %iota3A_22 = vector.shape_cast %iota3A_21 : vector<1x4096xi32> to vector<4096xi32>
    %add3A_23 = vector.broadcast %mul3A_20 : i32 to vector<4096xi32>
    %add3A_24 = arith.addi %add3A_23, %iota3A_22 : vector<4096xi32>
    %jit3A_25 = arith.constant 2048 : i32
    %div3A_26 = vector.broadcast %jit3A_25 : i32 to vector<4096xi32>
    %div3A_27 = arith.divsi %add3A_24, %div3A_26 : vector<4096xi32>
    %sign3A = arith.constant 0 : i32
    %sign3A_28 = vector.broadcast %sign3A : i32 to vector<4096xi32>
    %sign3A_29 = arith.cmpi sgt, %add3A_24, %sign3A_28 : vector<4096xi32>
    %sign3A_30 = arith.extui %sign3A_29 : vector<4096xi1> to vector<4096xi32>
    %sign3A_31 = arith.constant 0 : i32
    %sign3A_32 = vector.broadcast %sign3A_31 : i32 to vector<4096xi32>
    %sign3A_33 = arith.cmpi slt, %add3A_24, %sign3A_32 : vector<4096xi32>
    %sign3A_34 = arith.extui %sign3A_33 : vector<4096xi1> to vector<4096xi32>
    %sign3A_35 = arith.subi %sign3A_30, %sign3A_34 : vector<4096xi32>
    %sign3A_36 = arith.constant 0 : i32
    %sign3A_37 = arith.cmpi sgt, %jit3A_25, %sign3A_36 : i32
    %sign3A_38 = arith.extui %sign3A_37 : i1 to i32
    %sign3A_39 = arith.constant 0 : i32
    %sign3A_40 = arith.cmpi slt, %jit3A_25, %sign3A_39 : i32
    %sign3A_41 = arith.extui %sign3A_40 : i1 to i32
    %sign3A_42 = arith.subi %sign3A_38, %sign3A_41 : i32
    %ne3A = vector.broadcast %sign3A_42 : i32 to vector<4096xi32>
    %ne3A_43 = arith.cmpi ne, %sign3A_35, %ne3A : vector<4096xi32>
    %rem3A = vector.broadcast %jit3A_25 : i32 to vector<4096xi32>
    %rem3A_44 = arith.remsi %add3A_24, %rem3A : vector<4096xi32>
    %ne3A_45 = arith.constant 0 : i32
    %ne3A_46 = vector.broadcast %ne3A_45 : i32 to vector<4096xi32>
    %ne3A_47 = arith.cmpi ne, %rem3A_44, %ne3A_46 : vector<4096xi32>
    %and3A = arith.andi %ne3A_43, %ne3A_47 : vector<4096xi1>
    %sub3A_48 = arith.constant 1 : i32
    %sub3A_49 = vector.broadcast %sub3A_48 : i32 to vector<4096xi32>
    %sub3A_50 = arith.subi %div3A_27, %sub3A_49 : vector<4096xi32>
    %select_n3A_51 = arith.select %and3A, %sub3A_50, %div3A_27 : vector<4096xi1>, vector<4096xi32>
    %mul3A_52 = arith.constant 64 : i32
    %mul3A_53 = vector.broadcast %mul3A_52 : i32 to vector<4096xi32>
    %mul3A_54 = arith.muli %select_n3A_51, %mul3A_53 : vector<4096xi32>
    %add3A_55 = arith.addi %reduce_min3A_12, %mul3A_54 : vector<4096xi32>
    %swap3A_56 = arith.constant 0 : index
    %swap3A_57 = vector.load %arg5[%swap3A_56] : memref<4096xi32, #tpu.memory_space<vmem>>, vector<4096xi32>
    tpu.vector_store %arg5[%swap3A_56], %add3A_55 {strides = array<i32>} : memref<4096xi32, #tpu.memory_space<vmem>>, vector<4096xi32>,
    %div3A_58 = arith.constant 1.000000e+00 : f32
    %div3A_59 = vector.broadcast %div3A_58 : f32 to vector<1x4096xf32>
    %div3A_60 = arith.divf %div3A_59, %broadcast_in_dim3A_9 : vector<1x4096xf32>
    %mul3A_61 = vector.broadcast %div3A_60 : vector<1x4096xf32> to vector<64x4096xf32>
    %mul3A_62 = arith.mulf %exp3A, %mul3A_61 : vector<64x4096xf32>
    %reshape3A = vector.shape_cast %mul3A_62 : vector<64x4096xf32> to vector<64x32x128xf32>
    %reduce_sum3A_63 = arith.constant dense<0.000000e+00> : vector<64x128xf32>
    %reduce_sum3A_64 = vector.multi_reduction <add>, %reshape3A, %reduce_sum3A_63 [1] : vector<64x32x128xf32> to vector<64x128xf32>
    %mul3A_65 = arith.mulf %add3A, %add3A : vector<4096xf32>
    %reshape3A_66 = vector.shape_cast %mul3A_65 : vector<4096xf32> to vector<32x128xf32>
    %reduce_sum3A_67 = arith.constant dense<0.000000e+00> : vector<128xf32>
    %reduce_sum3A_68 = vector.multi_reduction <add>, %reshape3A_66, %reduce_sum3A_67 [0] : vector<32x128xf32> to vector<128xf32>
    %broadcast_in_dim3A_69 = vector.shape_cast %reduce_sum3A_68 : vector<128xf32> to vector<1x128xf32>
    %eq3A = arith.constant 0 : i32
    %eq3A_70 = arith.cmpi eq, %arg0, %eq3A : i32
    %convert_element_type3A = arith.extui %eq3A_70 : i1 to i32
    %cond3A = arith.constant 0 : i32
    %cond3A_71 = arith.cmpi ne, %convert_element_type3A, %cond3A : i32
    scf.if %cond3A_71 {
      %broadcast_in_dim3A_91 = arith.constant 0.000000e+00 : f32
      %broadcast_in_dim3A_92 = vector.broadcast %broadcast_in_dim3A_91 : f32 to vector<64x128xf32>
      %swap3A_93 = arith.constant 0 : index
      %swap3A_94 = arith.constant 0 : index
      %swap3A_95 = vector.load %arg7[%swap3A_93, %swap3A_94] : memref<64x128xf32, #tpu.memory_space<vmem>>, vector<64x128xf32>
      tpu.vector_store %arg7[%swap3A_93, %swap3A_94], %broadcast_in_dim3A_92 {strides = array<i32>} : memref<64x128xf32, #tpu.memory_space<vmem>>, vector<64x128xf32>,
      %broadcast_in_dim3A_96 = arith.constant 0.000000e+00 : f32
      %broadcast_in_dim3A_97 = vector.broadcast %broadcast_in_dim3A_96 : f32 to vector<1x128xf32>
      %swap3A_98 = arith.constant 0 : index
      %swap3A_99 = arith.constant 0 : index
      %swap3A_100 = vector.load %arg8[%swap3A_98, %swap3A_99] : memref<1x128xf32, #tpu.memory_space<vmem>>, vector<1x128xf32>
      tpu.vector_store %arg8[%swap3A_98, %swap3A_99], %broadcast_in_dim3A_97 {strides = array<i32>} : memref<1x128xf32, #tpu.memory_space<vmem>>, vector<1x128xf32>,
    } else {
    }
    %get3A_72 = arith.constant 0 : index
    %get3A_73 = arith.constant 0 : index
    %get3A_74 = vector.load %arg7[%get3A_72, %get3A_73] : memref<64x128xf32, #tpu.memory_space<vmem>>, vector<64x128xf32>
    %add3A_75 = arith.addf %get3A_74, %reduce_sum3A_64 : vector<64x128xf32>
    %swap3A_76 = arith.constant 0 : index
    %swap3A_77 = arith.constant 0 : index
    %swap3A_78 = vector.load %arg7[%swap3A_76, %swap3A_77] : memref<64x128xf32, #tpu.memory_space<vmem>>, vector<64x128xf32>
    tpu.vector_store %arg7[%swap3A_76, %swap3A_77], %add3A_75 {strides = array<i32>} : memref<64x128xf32, #tpu.memory_space<vmem>>, vector<64x128xf32>,
    %get3A_79 = arith.constant 0 : index
    %get3A_80 = arith.constant 0 : index
    %get3A_81 = vector.load %arg8[%get3A_79, %get3A_80] : memref<1x128xf32, #tpu.memory_space<vmem>>, vector<1x128xf32>
    %add3A_82 = arith.addf %get3A_81, %broadcast_in_dim3A_69 : vector<1x128xf32>
    %swap3A_83 = arith.constant 0 : index
    %swap3A_84 = arith.constant 0 : index
    %swap3A_85 = vector.load %arg8[%swap3A_83, %swap3A_84] : memref<1x128xf32, #tpu.memory_space<vmem>>, vector<1x128xf32>
    tpu.vector_store %arg8[%swap3A_83, %swap3A_84], %add3A_82 {strides = array<i32>} : memref<1x128xf32, #tpu.memory_space<vmem>>, vector<1x128xf32>,
    %eq3A_86 = arith.constant 7 : i32
    %eq3A_87 = arith.cmpi eq, %arg0, %eq3A_86 : i32
    %convert_element_type3A_88 = arith.extui %eq3A_87 : i1 to i32
    %cond3A_89 = arith.constant 0 : i32
    %cond3A_90 = arith.cmpi ne, %convert_element_type3A_88, %cond3A_89 : i32
    scf.if %cond3A_90 {
      %get3A_91 = arith.constant 0 : index
      %get3A_92 = arith.constant 0 : index
      %get3A_93 = vector.load %arg7[%get3A_91, %get3A_92] : memref<64x128xf32, #tpu.memory_space<vmem>>, vector<64x128xf32>
      %reduce_sum3A_94 = arith.constant dense<0.000000e+00> : vector<64xf32>
      %reduce_sum3A_95 = vector.multi_reduction <add>, %get3A_93, %reduce_sum3A_94 [1] : vector<64x128xf32> to vector<64xf32>
      %get3A_96 = arith.constant 0 : index
      %get3A_97 = arith.constant 0 : index
      %get3A_98 = vector.load %arg8[%get3A_96, %get3A_97] : memref<1x128xf32, #tpu.memory_space<vmem>>, vector<1x128xf32>
      %reduce_sum3A_99 = vector.shape_cast %get3A_98 : vector<1x128xf32> to vector<1x1x128xf32>
      %reduce_sum3A_100 = arith.constant dense<0.000000e+00> : vector<1xf32>
      %reduce_sum3A_101 = vector.multi_reduction <add>, %reduce_sum3A_99, %reduce_sum3A_100 [1, 2] : vector<1x1x128xf32> to vector<1xf32>
      %reduce_sum3A_102 = vector.shape_cast %reduce_sum3A_101 : vector<1xf32> to vector<1x1x1xf32>
      %reduce_sum3A_103 = vector.extract %reduce_sum3A_102[0, 0, 0] : f32 from vector<1x1x1xf32>
      %broadcast_in_dim3A_104 = vector.broadcast %reduce_sum3A_103 : f32 to vector<64xf32>
      %concatenate3A = tpu.concatenate %reduce_sum3A_95, %broadcast_in_dim3A_104 in 0 : vector<64xf32>, vector<64xf32> -> vector<128xf32>
      %swap3A_105 = arith.constant 0 : index
      %swap3A_106 = vector.load %arg6[%swap3A_105] : memref<128xf32, #tpu.memory_space<vmem>>, vector<128xf32>
      tpu.vector_store %arg6[%swap3A_105], %concatenate3A {strides = array<i32>} : memref<128xf32, #tpu.memory_space<vmem>>, vector<128xf32>,
    } else {
    }
    return
  }
  func.func @transform_0(%arg0: i32) -> (i32, i32) {
    %c0_i32 = arith.constant 0 : i32
    %c0_i32_0 = arith.constant 0 : i32
    return %arg0, %c0_i32 : i32, i32
  }
  func.func @transform_1(%arg0: i32) -> (i32, i32) {
    %c0_i32 = arith.constant 0 : i32
    %c0_i32_0 = arith.constant 0 : i32
    %c0_i32_1 = arith.constant 0 : i32
    return %c0_i32, %c0_i32_0 : i32, i32
  }
  func.func @transform_2(%arg0: i32) -> i32 {
    %c0_i32 = arith.constant 0 : i32
    return %arg0 : i32
  }
  func.func @transform_3(%arg0: i32) -> i32 {
    %c0_i32 = arith.constant 0 : i32
    return %arg0 : i32
  }
  func.func @transform_4(%arg0: i32) -> i32 {
    %c0_i32 = arith.constant 0 : i32
    return %arg0 : i32
  }
  func.func @transform_5(%arg0: i32) -> i32 {
    %c0_i32 = arith.constant 0 : i32
    %c0_i32_0 = arith.constant 0 : i32
    return %c0_i32 : i32
  }
}

</mosaic_0001>

<sc_bundles>
// kernel: kernel.4.cloned.1.call-start
scs
__scs_entry_jumppad:
0x0: {  	(pc) =	sbr.rel $0x88, $3  }
0x1: {  	(tag) =	ssettag $0x0;
	lr =	simm.s32 $0x1  }
0x2: {  	[smem:$0x3F9F] =	sst lr;
	_ =	strace $0xD0000000  }
0x3: {  	_ = 	snop  }
0x4: {  	_ = 	snop  }
0x5: {  	_ = 	snop  }
0x6: {  	_ = 	snop  }
0x7: {  	_ = 	snop  }
__scs_overlays_trampoline_lowered:
0x8: {  	[smem:$0x3FAE] =	sst s0  }
0x9: {  	[smem:$0x3FAF] =	sst s1  }
0xa: {  	[smem:$0x3FB0] =	sst s2  }
0xb: {  	[smem:$0x3FB1] =	sst s3  }
0xc: {  	[smem:$0x3FB2] =	sst s4  }
0xd: {  	[smem:$0x3FB3] =	sst s5  }
0xe: {  	[smem:$0x3FB4] =	sst s6  }
0xf: {  	[smem:$0x3FB5] =	sst s7  }
0x10: {  	[smem:$0x3FB6] =	sst s8  }
0x11: {  	[smem:$0x3FB7] =	sst s9;
	s0 =	simm.s32 @!p0 $0x0  }
0x12: {  	s1 =	sld [smem:$0x3F9D];
	s0 =	simm.s32 @p0 $0x1  }
0x13: {  	[smem:$0x3FB8] =	sst s0;
	s0 =	simm.s32 @!p1 $0x0  }
0x14: {  	s2 =	sld [smem:$0x3F9C];
	s0 =	simm.s32 @p1 $0x1  }
0x15: {  	[smem:$0x3FB9] =	sst s0;
	s0 =	simm.s32 @!p2 $0x0  }
0x16: {  	s3 =	sld [smem:$0x3FDB];
	s0 =	simm.s32 @p2 $0x1  }
0x17: {  	s4 =	simm.s32 $0x1BF5;
	[smem:$0x3FBB] =	sst s0  }
0x18: {  	s0 =	sld [smem:$0x3F9E];
	_ =	swait.ge [sflag:s4], $0x0  }
0x19: {  	s7 =	sld [smem:$0x3F9F]  }
0x1a: {  	s8 =	sadd.s32 $0xFFFFE003, lr  }
0x1b: {  	s9 =	sadd.s32 $0xFFFFFEF7, lr;
	s5 =	simm.s32 $0xFFFFFFFF;
	p2 =	slt.u32 s8, $0xFFFFF086  }
0x1c: {  	p1 =	slt.u32 s9, $0xF7A;
	s5 =	simm.s32 @!p2 $0x0  }
0x1d: {  	s5 =	simm.s32 @p1 $0x1;
	p0 =	seq.s32 s7, s2  }
0x1e: {  	s7 =	smul.u32 @!p0 $0xF7A, s2;
	p2 =	seq.s32 @!p0 s5, $0x0  }
0x1f: {  	s9 =	smul.u32 $0xF7A, s1;
	s8 =	simm.s32 @!p0 $0x1BF5;
	p2 =	por !p2, p0  }
0x20: {  	[sflag:s8] =	ssyncset.s32 @!p0 $0xFFFFF086;
	s6 =	sadd.s32 @!p0 s3, s7;
	s7 =	simm.s32 @!p0 $0x108  }
0x21: {  	s3 =	sadd.s32 s3, s9;
	s6 =	sadd.s32 @!p0 $0x88, s6;
	s7 =	simm.s32 @p2 $0x1082  }
0x22: {  	[simem:s7], [sflag:s8] =	dma.local @!p0 [hbm:s6], $0xF7A  }
0x23: {  	s9 =	sor.u32 $0xD0000000, s2;
	s6 =	simm.s32 $0x108;
	_ =	swait.ge @!p0 [sflag:s8], $0x0  }
0x24: {  	s3 =	sadd.s32 $0x88, s3;
	s6 =	simm.s32 @!p1 $0x1082;
	[sflag:s4] =	ssyncset.s32 $0xFFFFF086  }
0x25: {  	[simem:s6], [sflag:s4] =	dma.local [hbm:s3], $0xF7A  }
0x26: {  	[smem:$0x3F9F] =	sst s1;
	(tag) =	ssettag s2;
	_ =	strace s9  }
0x27: {  	s1 =	sld [smem:$0x3FAF]  }
0x28: {  	s2 =	sld [smem:$0x3FB0]  }
0x29: {  	s4 =	sld [smem:$0x3FB2]  }
0x2a: {  	p0 =	seq.s32 s5, $0x0;
	s5 =	sld [smem:$0x3FB3]  }
0x2b: {  	s6 =	sld [smem:$0x3FB4]  }
0x2c: {  	s7 =	sld [smem:$0x3FB5]  }
0x2d: {  	s3 =	simm.s32 $0x108;
	s8 =	sld [smem:$0x3FB6]  }
0x2e: {  	s3 =	simm.s32 @!p0 $0x1082;
	s9 =	sld [smem:$0x3FB7]  }
0x2f: {  	lr =	sadd.s32 s0, s3;
	s0 =	sld [smem:$0x3FAE]  }
0x30: {  	s3 =	sld [smem:$0x3FB1]  }
0x31: {  	[smem:$0x3FBA] =	sst s10  }
0x32: {  	s10 =	sld [smem:$0x3FB8];
	_ =	sdelay $0x3  }
0x33: {  	p0 =	seq.s32 s10, $0x1;
	s10 =	sld [smem:$0x3FBA];
	_ =	sdelay $0x3  }
0x34: {  	[smem:$0x3FBA] =	sst s10  }
0x35: {  	s10 =	sld [smem:$0x3FB9];
	_ =	sdelay $0x3  }
0x36: {  	p1 =	seq.s32 s10, $0x1;
	s10 =	sld [smem:$0x3FBA];
	_ =	sdelay $0x3  }
0x37: {  	[smem:$0x3FBA] =	sst s10  }
0x38: {  	s10 =	sld [smem:$0x3FBB]  }
0x39: {  	_ = 	snop;
	(pc) =	sbr.ind lr, $3  }
0x3a: {  	_ = 	snop  }
0x3b: {  	_ = 	snop  }
0x3c: {  	p2 =	seq.s32 s10, $0x1;
	s10 =	sld [smem:$0x3FBA]  }
0x3d: {  	_ =	shalt  }
0x3e: {  	_ =	shalt  }
0x3f: {  	_ =	shalt  }
0x40: {  	_ =	shalt  }
0x41: {  	_ =	shalt  }
0x42: {  	_ =	shalt  }
0x43: {  	_ =	shalt  }
0x44: {  	_ =	shalt  }
0x45: {  	_ =	shalt  }
0x46: {  	_ =	shalt  }
0x47: {  	_ =	shalt  }
0x48: {  	_ =	shalt  }
0x49: {  	_ =	shalt  }
0x4a: {  	_ =	shalt  }
0x4b: {  	_ =	shalt  }
0x4c: {  	_ =	shalt  }
0x4d: {  	_ =	shalt  }
0x4e: {  	_ =	shalt  }
0x4f: {  	_ =	shalt  }
0x50: {  	_ =	shalt  }
0x51: {  	_ =	shalt  }
0x52: {  	_ =	shalt  }
0x53: {  	_ =	shalt  }
0x54: {  	_ =	shalt  }
0x55: {  	_ =	shalt  }
0x56: {  	_ =	shalt  }
0x57: {  	_ =	shalt  }
0x58: {  	_ =	shalt  }
0x59: {  	_ =	shalt  }
0x5a: {  	_ =	shalt  }
0x5b: {  	_ =	shalt  }
0x5c: {  	_ =	shalt  }
0x5d: {  	_ =	shalt  }
0x5e: {  	_ =	shalt  }
0x5f: {  	_ =	shalt  }
0x60: {  	_ =	shalt  }
0x61: {  	_ =	shalt  }
0x62: {  	_ =	shalt  }
0x63: {  	_ =	shalt  }
0x64: {  	_ =	shalt  }
0x65: {  	_ =	shalt  }
0x66: {  	_ =	shalt  }
0x67: {  	_ =	shalt  }
0x68: {  	_ =	shalt  }
0x69: {  	_ =	shalt  }
0x6a: {  	_ =	shalt  }
0x6b: {  	_ =	shalt  }
0x6c: {  	_ =	shalt  }
0x6d: {  	_ =	shalt  }
0x6e: {  	_ =	shalt  }
0x6f: {  	_ =	shalt  }
0x70: {  	_ =	shalt  }
0x71: {  	_ =	shalt  }
0x72: {  	_ =	shalt  }
0x73: {  	_ =	shalt  }
0x74: {  	_ =	shalt  }
0x75: {  	_ =	shalt  }
0x76: {  	_ =	shalt  }
0x77: {  	_ =	shalt  }
0x78: {  	_ =	shalt  }
0x79: {  	_ =	shalt  }
0x7a: {  	_ =	shalt  }
0x7b: {  	_ =	shalt  }
0x7c: {  	_ =	shalt  }
0x7d: {  	_ =	shalt  }
0x7e: {  	_ =	shalt  }
0x7f: {  	_ =	shalt  }
0x80: {  	_ =	shalt  }
0x81: {  	_ =	shalt  }
0x82: {  	_ =	shalt  }
0x83: {  	_ =	shalt  }
0x84: {  	_ =	shalt  }
0x85: {  	_ =	shalt  }
0x86: {  	_ =	shalt  }
0x87: {  	_ =	shalt  }
.Lfunc_end0:
.L_simem_size_0:
called_computation_lowered:
.L_overlay_start_0:
0x88: {  	s0 =	sld [smem:$0x3FD9]  }
0x89: {  	s1 =	sld [smem:$0x3FFE];
	_ =	sdelay $0x3  }
0x8a: {  	s0 =	sadd.s32 s1, s0  }
0x8b: {  	[smem:$0x3FC6] =	sst s0  }
0x8c: {  	_ = 	snop  }
0x8d: {  	s0 =	sld [smem:$0x3FD0];
	_ =	sdelay $0x2  }
0x8e: {  	s13 =	simm.s32 $0xA;
	s2 =	simm.s32 $0x10  }
0x8f: {  	[smem:s2], [sflag:s13] =	dma.local [hbm:s0], $0x1  }
0x90: {  	_ =	swait.eq [sflag:s13], $0x1  }
0x91: {  	s14 =	sld [smem:$0x12];
	[sflag:s13] =	ssyncset.done $0x0  }
0x92: {  	s15 =	sld [smem:$0x13];
	[sflag:s13] =	ssyncadd.s32 $0xFFFFFFFF  }
0x93: {  	s16 =	sld [smem:$0x14];
	(tm) =	ssettm $0x1  }
0x94: {  	s3 =	sld [smem:$0x3FFB];
	_ =	sdelay $0x3  }
0x95: {  	_ =	strace s3  }
0x96: {  	s3 =	sld [smem:$0x3FFC];
	_ =	sdelay $0x3  }
0x97: {  	_ =	strace s3  }
0x98: {  	s3 =	sld [smem:$0x3FFD];
	_ =	sdelay $0x3  }
0x99: {  	_ =	strace s3  }
0x9a: {  	_ =	strace $0x8FFFFFFF  }
0x9b: {  	s17 =	sld [smem:$0x3FDB];
	_ =	sdelay $0x1  }
0x9c: {  	s4 =	simm.s32 $_scs_section_size  }
0x9d: {  	s5 =	simm.s32 $_size__tile_overlayer_lowered;
	s6 =	simm.s32 $_tile_overlayer_lowered  }
0x9e: {  	s20 =	simm.s32 $0x1BFF;
	s19 =	sshll.u32 s6, $0x1;
	s3 =	sadd.s32 s4, s17  }
0x9f: {  	s7 =	simm.s32 $0x0;
	s18 =	sshll.u32 s5, $0x1;
	s5 =	sadd.s32 s19, s3  }
0xa0: {  	[timem:s7], [sflag:s20] =	dma.local [hbm:s5], s18  }
0xa1: {  	_ =	swait.ge [sflag:s20], s18  }
0xa2: {  	s4 =	ssub.s32 $0x0, s18;
	[sflag:s20] =	ssyncset.done $0x0  }
0xa3: {  	[sflag:s20] =	ssyncadd.s32 s4;
	_ =	sdelay $0x1  }
0xa4: {  	s21 =	simm.s32 $0x1B8B  }
0xa5: {  	_ =	swait.ge [sflag:s21], $0x1  }
0xa6: {  	[sflag:s21] =	ssyncset.done $0x0  }
0xa7: {  	s23 =	simm.s32 $0x1B8E;
	s22 =	sld [smem:$0x3FFE];
	[sflag:s21] =	ssyncadd.s32 $0xFFFFFFFF  }
0xa8: {  	s24 =	simm.s32 $execute0_lowered;
	[smem:$0x3FD2] =	sst s23  }
0xa9: {  	s5 =	sshll.u32 s24, $0x1;
	_ =	strace $0x80000046;
	[dreg:$0x1] =	wrdreg $0xFFFFFFFF  }
0xaa: {  	s25 =	simm.s32 $_size_execute0_lowered;
	s3 =	sadd.s32 s3, s5;
	[dreg:$0x0] =	wrdreg $0x0  }
0xab: {  	s5 =	sshll.u32 s25, $0x1;
	[dreg:$0x2] =	wrdreg s3  }
0xac: {  	[dreg:$0x3] =	wrdreg s5  }
0xad: {  	[dreg:$0x4] =	wrdreg $0xC0  }
0xae: {  	_ =	task [dreg:s7], $0x5FFFF  }
0xaf: {  	[dreg:$0x1] =	wrdreg $0xFFFFFFFF  }
0xb0: {  	[dreg:$0x0] =	wrdreg $0x60  }
0xb1: {  	[dreg:$0x2] =	wrdreg s22  }
0xb2: {  	[dreg:$0x3] =	wrdreg s15  }
0xb3: {  	[dreg:$0x4] =	wrdreg s14  }
0xb4: {  	[dreg:$0x5] =	wrdreg s16  }
0xb5: {  	[dreg:$0x6] =	wrdreg $0xE000  }
0xb6: {  	[dreg:$0x7] =	wrdreg $0x9  }
0xb7: {  	_ =	task.clear_ibuf [dreg:s7], $0x8FFFF;
	_ =	strace $0x90000046  }
0xb8: {  	s26 =	simm.s32 $0x9;
	_ =	strace $0x80000048  }
0xb9: {  	_ =	swait.ge [sflag:s26], $0x1  }
0xba: {  	[sflag:s26] =	ssyncadd.s32 $0xFFFFFFFF  }
0xbb: {  	_ =	strace $0x90000048  }
0xbc: {  	_ =	sfence  }
0xbd: {  	s28 =	sld [smem:$0x0];
	_ =	sdelay $0x1  }
0xbe: {  	s29 =	srdreg.scid  }
0xbf: {  	s30 =	sshll.u32 s29, $0xD;
	s31 =	sshrl.u32 s29, $0x2  }
0xc0: {  	s1 =	sand.u32 $0x1, s29;
	s2 =	sand.u32 $0x4000, s30;
	s0 =	sadd.s32 s31, s28  }
0xc1: {  	s1 =	sor.u32 s2, s1;
	s0 =	sshll.u32 s0, $0x11  }
0xc2: {  	s0 =	sor.u32 s0, s1  }
0xc3: {  	s0 =	sadd.s32 $0x8F2B, s0  }
0xc4: {  	[sflag:s0] =	ssyncadd.remote.s32 $0x1  }
0xc5: {  	_ =	sfence.sel $0xFFFF  }
0xc6: {  	[dreg:$0x0] =	wrdreg $0xFFFFFFFF;
	(pc) =	sbr.abs _section_cstart, $3  }
0xc7: {  	[dreg:$0x1] =	wrdreg $0xFFFFFFFF  }
0xc8: {  	_ =	task.clear_ibuf [dreg:s7], $0x2FFFF;
	_ =	strace $0x9FFFFFFF  }
0xc9: {  	(tm) =	ssettm $0x7FFFFFFF  }
tec
execute0_lowered:
.L_overlay_start_1:
0x0: {  	(tag) =	ssettag $0x1  }
0x1: {  	s4 =	rddreg [dreg:$0x0]  }
0x2: {  	s7 =	rddreg [dreg:$0x1]  }
0x3: {  	s2 =	rddreg [dreg:$0x2]  }
0x4: {  	s1 =	rddreg [dreg:$0x3];
	s8 =	stileid.u32  }
0x5: {  	s6 =	rddreg [dreg:$0x4];
	s3 =	simm.s32 $0x0;
	s5 =	sshll.u32 s8, $0x8  }
0x6: {  	[smem:$0x7FF] =	sst s3;
	s4 =	sadd.s32 s5, s4  }
0x7: {  	s0 =	rddreg [dreg:$0x5];
	_ =	strace $0x80000047;
	s4 =	sadd.s32 $0xE00, s4  }
0x8: {  	[tilespmem:s3], [sflag:$0x2] =	stream.linear.gather [hbm4b:s4+s3], $0x800, $0x38;
	[tilespmem:$0xE40] =	vst v63  }
0x9: {  	s4 =	simm.s32 $0x2  }
0xa: {  	_ =	swait.ge [sflag:s4], $0x800  }
0xb: {  	[sflag:s4] =	ssyncset.done $0x0  }
0xc: {  	v0 =	vimm.s32 $0x1;
	[sflag:s4] =	ssyncadd.s32 $0xFFFFF800  }
0xd: {  	[tilespmem:$0x800] =	vst v0  }
0xe: {  	[tilespmem:$0x810] =	vst v0  }
0xf: {  	[tilespmem:$0x820] =	vst v0  }
0x10: {  	[tilespmem:$0x830] =	vst v0  }
0x11: {  	[tilespmem:$0x840] =	vst v0  }
0x12: {  	[tilespmem:$0x850] =	vst v0  }
0x13: {  	[tilespmem:$0x860] =	vst v0  }
0x14: {  	v63 =	vimm.s32 $0x0;
	[tilespmem:$0x870] =	vst v0  }
0x15: {  	[tilespmem:$0x900] =	vst v63  }
0x16: {  	[tilespmem:$0x910] =	vst v63  }
0x17: {  	s5 =	sshrl.u32 s5, $0x2;
	[tilespmem:$0x920] =	vst v63  }
0x18: {  	s9 =	sadd.s32 s5, s6;
	s5 =	simm.s32 $0x900;
	[tilespmem:$0x930] =	vst v63  }
0x19: {  	[spmem:s9] =	stream.linear.scatter [tilespmem:s5], [sflag:$0x2], $0x40, $0x38;
	[tilespmem:$0xE40] =	vst v63  }
0x1a: {  	_ =	swait.ge [sflag:s4], $0x40  }
0x1b: {  	p0 =	sne.s32 s8, $0x0;
	[sflag:s4] =	ssyncset.done $0x0  }
0x1c: {  	s8 =	simm.s32 @!p0 $0x0;
	s9 =	simm.s32 @!p0 $0x880;
	[sflag:s4] =	ssyncadd.s32 $0xFFFFFFC0  }
0x1d: {  	[tilespmem:s9], [sflag:$0x2] =	stream.linear.gather @!p0 [hbm4b:s7+s8], $0x80, $0x38;
	[tilespmem:$0xE40] =	vst v63  }
0x1e: {  	s7 =	simm.s32 @!p0 $0x2  }
0x1f: {  	_ =	swait.ge @!p0 [sflag:s7], $0x80  }
0x20: {  	[sflag:s7] =	ssyncset.done @!p0 $0x0  }
0x21: {  	[sflag:s7] =	ssyncadd.s32 @!p0 $0xFFFFFF80  }
0x22: {  	s14 =	simm.s32 $0x80;
	s15 =	simm.s32 $0x800;
	[bflag:$0x0] =	sbarrier.arrive $0xFFFF  }
0x23: {  	[spmem:s6] =	stream.indirect.scatter.add.s32 [tilespmem:s15], [sflag:$0x1], $0x1, s3, s14, $0xb8;
	[tilespmem:$0xE40] =	vst v63  }
0x24: {  	_ = 	snop  }
0x25: {  	[spmem:s6] =	stream.indirect.scatter.add.s32 [tilespmem:s15], [sflag:$0x1], $0x1, s14, s14, $0xb8;
	[tilespmem:$0xE40] =	vst v63  }
0x26: {  	s16 =	simm.s32 $0x100  }
0x27: {  	[spmem:s6] =	stream.indirect.scatter.add.s32 [tilespmem:s15], [sflag:$0x1], $0x1, s16, s14, $0xb8;
	[tilespmem:$0xE40] =	vst v63  }
0x28: {  	s17 =	simm.s32 $0x180  }
0x29: {  	[spmem:s6] =	stream.indirect.scatter.add.s32 [tilespmem:s15], [sflag:$0x1], $0x1, s17, s14, $0xb8;
	[tilespmem:$0xE40] =	vst v63  }
0x2a: {  	s18 =	simm.s32 $0x200  }
0x2b: {  	[spmem:s6] =	stream.indirect.scatter.add.s32 [tilespmem:s15], [sflag:$0x1], $0x1, s18, s14, $0xb8;
	[tilespmem:$0xE40] =	vst v63  }
0x2c: {  	s19 =	simm.s32 $0x280  }
0x2d: {  	[spmem:s6] =	stream.indirect.scatter.add.s32 [tilespmem:s15], [sflag:$0x1], $0x1, s19, s14, $0xb8;
	[tilespmem:$0xE40] =	vst v63  }
0x2e: {  	s20 =	simm.s32 $0x300  }
0x2f: {  	[spmem:s6] =	stream.indirect.scatter.add.s32 [tilespmem:s15], [sflag:$0x1], $0x1, s20, s14, $0xb8;
	[tilespmem:$0xE40] =	vst v63  }
0x30: {  	s21 =	simm.s32 $0x380  }
0x31: {  	[spmem:s6] =	stream.indirect.scatter.add.s32 [tilespmem:s15], [sflag:$0x1], $0x1, s21, s14, $0xb8;
	[tilespmem:$0xE40] =	vst v63  }
0x32: {  	s22 =	simm.s32 $0x400  }
0x33: {  	[spmem:s6] =	stream.indirect.scatter.add.s32 [tilespmem:s15], [sflag:$0x1], $0x1, s22, s14, $0xb8;
	[tilespmem:$0xE40] =	vst v63  }
0x34: {  	s23 =	simm.s32 $0x480  }
0x35: {  	[spmem:s6] =	stream.indirect.scatter.add.s32 [tilespmem:s15], [sflag:$0x1], $0x1, s23, s14, $0xb8;
	[tilespmem:$0xE40] =	vst v63  }
0x36: {  	s24 =	simm.s32 $0x500  }
0x37: {  	[spmem:s6] =	stream.indirect.scatter.add.s32 [tilespmem:s15], [sflag:$0x1], $0x1, s24, s14, $0xb8;
	[tilespmem:$0xE40] =	vst v63  }
0x38: {  	s25 =	simm.s32 $0x580  }
0x39: {  	[spmem:s6] =	stream.indirect.scatter.add.s32 [tilespmem:s15], [sflag:$0x1], $0x1, s25, s14, $0xb8;
	[tilespmem:$0xE40] =	vst v63  }
0x3a: {  	s26 =	simm.s32 $0x600  }
0x3b: {  	[spmem:s6] =	stream.indirect.scatter.add.s32 [tilespmem:s15], [sflag:$0x1], $0x1, s26, s14, $0xb8;
	[tilespmem:$0xE40] =	vst v63  }
0x3c: {  	s28 =	simm.s32 $0x680  }
0x3d: {  	[spmem:s6] =	stream.indirect.scatter.add.s32 [tilespmem:s15], [sflag:$0x1], $0x1, s28, s14, $0xb8;
	[tilespmem:$0xE40] =	vst v63  }
0x3e: {  	s29 =	simm.s32 $0x700  }
0x3f: {  	[spmem:s6] =	stream.indirect.scatter.add.s32 [tilespmem:s15], [sflag:$0x1], $0x1, s29, s14, $0xb8;
	[tilespmem:$0xE40] =	vst v63  }
0x40: {  	s30 =	simm.s32 $0x780;
	s31 =	simm.s32 $0x1  }
0x41: {  	[spmem:s6] =	stream.indirect.scatter.add.s32 [tilespmem:s15], [sflag:$0x1], $0x1, s30, s14, $0xb8;
	[tilespmem:$0xE40] =	vst v63  }
0x42: {  	_ =	swait.ge [sflag:s31], $0x80  }
0x43: {  	[sflag:s31] =	ssyncset.done $0x0  }
0x44: {  	[sflag:s31] =	ssyncadd.s32 $0xFFFFFF80  }
0x45: {  	_ =	swait.ge [sflag:s31], $0x80  }
0x46: {  	[sflag:s31] =	ssyncset.done $0x0  }
0x47: {  	[sflag:s31] =	ssyncadd.s32 $0xFFFFFF80  }
0x48: {  	_ =	swait.ge [sflag:s31], $0x80  }
0x49: {  	[sflag:s31] =	ssyncset.done $0x0  }
0x4a: {  	[sflag:s31] =	ssyncadd.s32 $0xFFFFFF80  }
0x4b: {  	_ =	swait.ge [sflag:s31], $0x80  }
0x4c: {  	[sflag:s31] =	ssyncset.done $0x0  }
0x4d: {  	[sflag:s31] =	ssyncadd.s32 $0xFFFFFF80  }
0x4e: {  	_ =	swait.ge [sflag:s31], $0x80  }
0x4f: {  	[sflag:s31] =	ssyncset.done $0x0  }
0x50: {  	[sflag:s31] =	ssyncadd.s32 $0xFFFFFF80  }
0x51: {  	_ =	swait.ge [sflag:s31], $0x80  }
0x52: {  	[sflag:s31] =	ssyncset.done $0x0  }
0x53: {  	[sflag:s31] =	ssyncadd.s32 $0xFFFFFF80  }
0x54: {  	_ =	swait.ge [sflag:s31], $0x80  }
0x55: {  	[sflag:s31] =	ssyncset.done $0x0  }
0x56: {  	[sflag:s31] =	ssyncadd.s32 $0xFFFFFF80  }
0x57: {  	_ =	swait.ge [sflag:s31], $0x80  }
0x58: {  	[sflag:s31] =	ssyncset.done $0x0  }
0x59: {  	[sflag:s31] =	ssyncadd.s32 $0xFFFFFF80  }
0x5a: {  	_ =	swait.ge [sflag:s31], $0x80  }
0x5b: {  	[sflag:s31] =	ssyncset.done $0x0  }
0x5c: {  	[sflag:s31] =	ssyncadd.s32 $0xFFFFFF80  }
0x5d: {  	_ =	swait.ge [sflag:s31], $0x80  }
0x5e: {  	[sflag:s31] =	ssyncset.done $0x0  }
0x5f: {  	[sflag:s31] =	ssyncadd.s32 $0xFFFFFF80  }
0x60: {  	_ =	swait.ge [sflag:s31], $0x80  }
0x61: {  	[sflag:s31] =	ssyncset.done $0x0  }
0x62: {  	[sflag:s31] =	ssyncadd.s32 $0xFFFFFF80  }
0x63: {  	_ =	swait.ge [sflag:s31], $0x80  }
0x64: {  	[sflag:s31] =	ssyncset.done $0x0  }
0x65: {  	[sflag:s31] =	ssyncadd.s32 $0xFFFFFF80  }
0x66: {  	_ =	swait.ge [sflag:s31], $0x80  }
0x67: {  	[sflag:s31] =	ssyncset.done $0x0  }
0x68: {  	[sflag:s31] =	ssyncadd.s32 $0xFFFFFF80  }
0x69: {  	_ =	swait.ge [sflag:s31], $0x80  }
0x6a: {  	[sflag:s31] =	ssyncset.done $0x0  }
0x6b: {  	[sflag:s31] =	ssyncadd.s32 $0xFFFFFF80  }
0x6c: {  	_ =	swait.ge [sflag:s31], $0x80  }
0x6d: {  	[sflag:s31] =	ssyncset.done $0x0  }
0x6e: {  	[sflag:s31] =	ssyncadd.s32 $0xFFFFFF80  }
0x6f: {  	_ =	swait.ge [sflag:s31], $0x80  }
0x70: {  	[sflag:s31] =	ssyncset.done $0x0  }
0x71: {  	[sflag:s31] =	ssyncadd.s32 $0xFFFFFF80  }
0x72: {  	[bflag:$0x0] =	sbarrier.arrive $0xFFFF  }
0x73: {  	_ =	sfence.sel @p0 $0x180000  }
0x74: {  	[bflag:$0x0] =	sbarrier.arrive @p0 $0xFFFF  }
0x75: {  	_ =	strace @p0 $0x90000047  }
0x76: {  	[bflag:$0x2] =	sbarrier.arrive @p0 $0xFFFF  }
0x77: {  	_ =	shalt @p0  }
.LBB2_1:
0x78: {  	s7 =	simm.s32 $0x980  }
0x79: {  	[tilespmem:s7], [sflag:$0x2] =	stream.linear.gather [spmem:s6], $0x400, $0x38;
	[tilespmem:$0xE40] =	vst v63  }
0x7a: {  	_ =	swait.ge [sflag:s4], $0x400  }
0x7b: {  	[sflag:s4] =	ssyncset.done $0x0  }
0x7c: {  	[sflag:s4] =	ssyncadd.s32 $0xFFFFFC00  }
0x7d: {  	v0 =	vld [tilespmem:$0x980]  }
0x7e: {  	v1 =	vld [tilespmem:$0x9C0]  }
0x7f: {  	v2 =	vld [tilespmem:$0xA00]  }
0x80: {  	v3 =	vld [tilespmem:$0xA40]  }
0x81: {  	v4 =	vld [tilespmem:$0xA80]  }
0x82: {  	v5 =	vld [tilespmem:$0xAC0]  }
0x83: {  	v6 =	vld [tilespmem:$0xB00]  }
0x84: {  	v7 =	vld [tilespmem:$0xB40]  }
0x85: {  	v8 =	vld [tilespmem:$0xB80]  }
0x86: {  	v9 =	vld [tilespmem:$0xBC0]  }
0x87: {  	v10 =	vld [tilespmem:$0xC00]  }
0x88: {  	v11 =	vld [tilespmem:$0xC40]  }
0x89: {  	v12 =	vld [tilespmem:$0xC80]  }
0x8a: {  	v13 =	vld [tilespmem:$0xCC0]  }
0x8b: {  	v14 =	vld [tilespmem:$0xD00]  }
0x8c: {  	v15 =	vld [tilespmem:$0xD40]  }
0x8d: {  	v16 =	vld [tilespmem:$0x990]  }
0x8e: {  	v17 =	vld [tilespmem:$0x9D0]  }
0x8f: {  	v18 =	vld [tilespmem:$0xA10]  }
0x90: {  	v19 =	vld [tilespmem:$0xA50]  }
0x91: {  	v20 =	vld [tilespmem:$0xA90]  }
0x92: {  	v21 =	vld [tilespmem:$0xAD0]  }
0x93: {  	v22 =	vld [tilespmem:$0xB10]  }
0x94: {  	v23 =	vld [tilespmem:$0xB50]  }
0x95: {  	v24 =	vld [tilespmem:$0xB90]  }
0x96: {  	v25 =	vld [tilespmem:$0xBD0]  }
0x97: {  	v26 =	vld [tilespmem:$0xC10]  }
0x98: {  	v27 =	vld [tilespmem:$0xC50]  }
0x99: {  	v28 =	vld [tilespmem:$0xC90]  }
0x9a: {  	v29 =	vld [tilespmem:$0xCD0]  }
0x9b: {  	v30 =	vld [tilespmem:$0xD10]  }
0x9c: {  	v31 =	vld [tilespmem:$0xD50]  }
0x9d: {  	v32 =	vld [tilespmem:$0x9A0]  }
0x9e: {  	v33 =	vld [tilespmem:$0x9E0]  }
0x9f: {  	v34 =	vld [tilespmem:$0xA20]  }
0xa0: {  	v35 =	vld [tilespmem:$0xA60]  }
0xa1: {  	v36 =	vld [tilespmem:$0xAA0]  }
0xa2: {  	v37 =	vld [tilespmem:$0xAE0]  }
0xa3: {  	v38 =	vld [tilespmem:$0xB20]  }
0xa4: {  	v39 =	vld [tilespmem:$0xB60]  }
0xa5: {  	v52 =	vld [tilespmem:$0xBA0]  }
0xa6: {  	v53 =	vld [tilespmem:$0xBE0];
	v0 =	vadd.s32 v0, v1  }
0xa7: {  	v54 =	vld [tilespmem:$0xC20];
	v0 =	vadd.s32 v2, v0  }
0xa8: {  	v55 =	vld [tilespmem:$0xC60];
	v0 =	vadd.s32 v3, v0  }
0xa9: {  	v56 =	vld [tilespmem:$0xCA0];
	v0 =	vadd.s32 v4, v0  }
0xaa: {  	v57 =	vld [tilespmem:$0xCE0];
	v0 =	vadd.s32 v5, v0  }
0xab: {  	v59 =	vld [tilespmem:$0x9B0];
	v0 =	vadd.s32 v6, v0  }
0xac: {  	v60 =	vld [tilespmem:$0x9F0];
	v0 =	vadd.s32 v7, v0  }
0xad: {  	v61 =	vld [tilespmem:$0xA30];
	v0 =	vadd.s32 v8, v0  }
0xae: {  	v58 =	vld [tilespmem:$0xD20];
	v0 =	vadd.s32 v9, v0  }
0xaf: {  	v63 =	vld [tilespmem:$0xA70];
	v0 =	vadd.s32 v10, v0  }
0xb0: {  	v40 =	vld [tilespmem:$0xAB0];
	v62 =	vadd.s32 v16, v17;
	v0 =	vadd.s32 v11, v0  }
0xb1: {  	v42 =	vld [tilespmem:$0xAF0];
	v41 =	vadd.s32 v32, v33;
	v9 =	vadd.s32 v59, v60;
	v0 =	vadd.s32 v12, v0  }
0xb2: {  	v43 =	vld [tilespmem:$0xB30];
	v9 =	vadd.s32 v61, v9;
	v12 =	vadd.s32 v18, v62;
	v0 =	vadd.s32 v13, v0  }
0xb3: {  	v44 =	vld [tilespmem:$0xB70];
	v12 =	vadd.s32 v19, v12;
	v0 =	vadd.s32 v14, v0;
	v14 =	vadd.s32 v34, v41  }
0xb4: {  	v45 =	vld [tilespmem:$0xBB0];
	v9 =	vadd.s32 v63, v9;
	v12 =	vadd.s32 v20, v12;
	v14 =	vadd.s32 v35, v14  }
0xb5: {  	v46 =	vld [tilespmem:$0xBF0];
	v9 =	vadd.s32 v40, v9;
	v12 =	vadd.s32 v21, v12;
	v14 =	vadd.s32 v36, v14  }
0xb6: {  	v47 =	vld [tilespmem:$0xC30];
	v9 =	vadd.s32 v42, v9;
	v12 =	vadd.s32 v22, v12;
	v14 =	vadd.s32 v37, v14  }
0xb7: {  	v48 =	vld [tilespmem:$0xC70];
	v9 =	vadd.s32 v43, v9;
	v12 =	vadd.s32 v23, v12;
	v14 =	vadd.s32 v38, v14  }
0xb8: {  	v49 =	vld [tilespmem:$0xCB0];
	v0 =	vadd.s32 v15, v0;
	v12 =	vadd.s32 v24, v12;
	v14 =	vadd.s32 v39, v14  }
0xb9: {  	v51 =	vld [tilespmem:$0xCF0];
	v50 =	vadd.s32 v44, v9;
	v12 =	vadd.s32 v25, v12;
	v1 =	vadd.s32 v52, v14  }
0xba: {  	v8 =	vld [tilespmem:$0xD60];
	v2 =	vadd.s32 v45, v50;
	v12 =	vadd.s32 v26, v12;
	v1 =	vadd.s32 v53, v1  }
0xbb: {  	v2 =	vadd.s32 v46, v2;
	v12 =	vadd.s32 v27, v12;
	v53 =	vld [tilespmem:$0x880];
	v1 =	vadd.s32 v54, v1  }
0xbc: {  	v2 =	vadd.s32 v47, v2;
	v52 =	vadd.s32 v28, v12;
	v54 =	vld [tilespmem:$0xD30];
	v1 =	vadd.s32 v55, v1  }
0xbd: {  	v2 =	vadd.s32 v48, v2;
	v10 =	vadd.s32 v29, v52;
	v55 =	vld [tilespmem:$0x890];
	v1 =	vadd.s32 v56, v1  }
0xbe: {  	v10 =	vadd.s32 v30, v10;
	v56 =	vld [tilespmem:$0xD70];
	v1 =	vadd.s32 v57, v1;
	v57 =	vcvt.s32.f32 v0  }
0xbf: {  	v2 =	vadd.s32 v49, v2;
	v10 =	vadd.s32 v31, v10;
	v1 =	vadd.s32 v58, v1;
	v58 =	vld [tilespmem:$0x8A0]  }
0xc0: {  	v2 =	vadd.s32 v51, v2;
	v59 =	vcvt.s32.f32 v10;
	v3 =	vmul.f32 v57, v53  }
0xc1: {  	v60 =	vld [tilespmem:$0x8B0];
	v1 =	vadd.s32 v8, v1;
	v2 =	vadd.s32 v54, v2  }
0xc2: {  	v5 =	vmul.f32 v59, v55;
	v8 =	vcvt.s32.f32 v1;
	v3 =	vadd.f32 $0.0e+00, v3  }
0xc3: {  	v2 =	vadd.s32 v56, v2  }
0xc4: {  	v6 =	vcvt.s32.f32 v2;
	v3 =	vadd.f32 v5, v3;
	v61 =	vmul.f32 v8, v58;
	_ =	sdelay $0x1  }
0xc5: {  	v4 =	vmul.f32 v6, v60;
	v3 =	vadd.f32 v61, v3;
	_ =	sdelay $0x1  }
0xc6: {  	v3 =	vadd.f32 v4, v3;
	_ =	sdelay $0x1  }
0xc7: {  	(xrf2) =	vadd.scan.msk.f32 $0xffff, v3;
	_ =	sdelay $0x9  }
0xc8: {  	v3, _, _ =	vpop (xrf2)  }
0xc9: {  	(v2sf) =	vpush v3, $0xF;
	_ =	sdelay $0xa  }
0xca: {  	v62 =	vld [tilespmem:$0x8C0];
	_ =	sdelay $0x3  }
0xcb: {  	s30 =	spop (v2sf)  }
0xcc: {  	[tilespmem:$0x900] =	vst v0;
	v63 =	vmul.f32 $3.051757960e-08, v62;
	s6 =	smul.f32 $5.960464340e-10, s30  }
0xcd: {  	[tilespmem:$0x910] =	vst v10  }
0xce: {  	[tilespmem:$0x920] =	vst v1;
	v0 =	vadd.f32 s6, v63  }
0xcf: {  	[tilespmem:$0x930] =	vst v2  }
0xd0: {  	[tilespmem:$0xD80] =	vst v0  }
0xd1: {  	[hbm4b:s2+s3] =	stream.linear.scatter [tilespmem:s5], [sflag:$0x2], $0x80, $0x38;
	[tilespmem:$0xE40] =	vst v63  }
0xd2: {  	_ =	swait.ge [sflag:s4], $0x80  }
0xd3: {  	[sflag:s4] =	ssyncset.done $0x0  }
0xd4: {  	s31 =	simm.s32 $0xD80;
	[sflag:s4] =	ssyncadd.s32 $0xFFFFFF80  }
0xd5: {  	[hbm4b:s1+s3] =	stream.linear.scatter [tilespmem:s31], [sflag:$0x2], $0x80, $0x38;
	[tilespmem:$0xE40] =	vst v63  }
0xd6: {  	_ =	swait.ge [sflag:s4], $0x80  }
0xd7: {  	[sflag:s4] =	ssyncset.done $0x0  }
0xd8: {  	[sflag:s4] =	ssyncadd.s32 $0xFFFFFF80  }
0xd9: {  	_ =	sfence.sel $0x180000  }
0xda: {  	[bflag:$0x0] =	sbarrier.arrive $0xFFFF  }
0xdb: {  	_ =	strace $0x90000047  }
0xdc: {  	s0 =	sadd.s32 $0x100000, s0;
	[bflag:$0x2] =	sbarrier.arrive $0xFFFF  }
0xdd: {  	[sflag:s0] =	ssyncadd.tile.s32 $0x1;
	_ =	shalt  }
.Lfunc_end2:
_tile_overlayer_lowered:
.L_overlay_start_2:
0xde: {  	(tag) =	ssettag $0x2  }
0xdf: {  	s0 =	rddreg [dreg:$0x0];
	s2 =	stileid.u32  }
0xe0: {  	s1 =	rddreg [dreg:$0x1];
	p0 =	sne.s32 s2, $0x0  }
0xe1: {  	s3 =	rddreg [dreg:$0x2];
	[bflag:$0x3] =	sbarrier.arrive $0xFFFF;
	s2 =	simm.s32 @!p0 $0x1C02  }
0xe2: {  	[timem:s3], [sflag:s2] =	dma.local @!p0 [hbm:s0], s1  }
0xe3: {  	s0 =	simm.s32 @!p0 $0x2  }
0xe4: {  	_ =	swait.ge @!p0 [sflag:s0], s1  }
0xe5: {  	s1 =	ssub.s32 @!p0 $0x0, s1;
	[sflag:s0] =	ssyncset.done @!p0 $0x0  }
0xe6: {  	[sflag:s0] =	ssyncadd.s32 @!p0 s1  }
0xe7: {  	[bflag:$0x3] =	sbarrier.arrive $0xFFFF  }
0xe8: {  	_ =	shalt  }

</sc_bundles>
